<compile_context>
chip_gen: v7x
topology: tpu7x:2x2x1
jax: 0.10.2.dev20260603
libtpu: 0.0.44.dev20260713+nightly
codegen_flags: <defaults>
</compile_context>

<pallas_src>
import functools

import jax
import jax.numpy as jnp
from jax import lax
from jax.experimental import pallas as pl
from jax.experimental.pallas import tpu as pltpu
from jax.experimental.pallas import tpu_sc as plsc

N = 10000
NP = 10240
E = 320000
D = 128
NSUB = 16
NTILE = 32
B = 80
ROWS_PER_TILE = NP // NSUB
EP_MAIN = E // NSUB
EP_DEG = E // NTILE
BN = 640


def _deg_kernel_body(dst_hbm, ones_hbm, zeros_hbm, out_hbm, dbuf, ones_v, acc):
    co = lax.axis_index("c")
    s = lax.axis_index("s")
    tid = co * NSUB + s
    r0 = s * ROWS_PER_TILE
    pltpu.sync_copy(zeros_hbm.at[pl.ds(r0, ROWS_PER_TILE)],
                    acc.at[pl.ds(r0, ROWS_PER_TILE)])
    pltpu.sync_copy(ones_hbm, ones_v)
    pltpu.sync_copy(dst_hbm.at[tid], dbuf)
    plsc.subcore_barrier()

    def body(i, carry):
        pltpu.sync_copy(ones_v, acc.at[dbuf.at[i]], add=True)
        return carry

    lax.fori_loop(0, EP_DEG // B, body, 0)
    plsc.subcore_barrier()
    pltpu.sync_copy(acc.at[pl.ds(r0, ROWS_PER_TILE)],
                    out_hbm.at[co, pl.ds(r0, ROWS_PER_TILE)])


def _main_kernel_body(hp_hbm, sdx_hbm, out_hbm,
                      sd_a, sd_b, rows_a, rows_b, acc,
                      sem_ga, sem_gb, sem_ia, sem_ib):
    co = lax.axis_index("c")
    s = lax.axis_index("s")
    r0 = s * ROWS_PER_TILE
    nb_t = EP_MAIN // B
    for k in range(2):
        chunk = co * 2 + k
        pltpu.sync_copy(hp_hbm.at[pl.ds(chunk * NP + r0, ROWS_PER_TILE)],
                        acc.at[pl.ds(r0, ROWS_PER_TILE)])
        plsc.subcore_barrier()

        pltpu.sync_copy(sdx_hbm.at[chunk, s, 0], sd_a)
        pltpu.make_async_copy(hp_hbm.at[sd_a.at[0]], rows_a, sem_ga).start()
        pltpu.make_async_copy(
            sdx_hbm.at[chunk, s, 1], sd_b, sem_ib).start()

        def body(i, carry):
            last = nb_t // 2 - 1
            pltpu.make_async_copy(
                sdx_hbm.at[chunk, s, 2 * i + 1], sd_b, sem_ib).wait()
            pltpu.make_async_copy(
                hp_hbm.at[sd_b.at[0]], rows_b, sem_gb).start()
            pltpu.make_async_copy(
                hp_hbm.at[sd_a.at[0]], rows_a, sem_ga).wait()
            pltpu.sync_copy(rows_a, acc.at[sd_a.at[1]], add=True)

            @pl.when(i < last)
            def _():
                pltpu.make_async_copy(
                    sdx_hbm.at[chunk, s, 2 * i + 2], sd_a, sem_ia).start()

            pltpu.make_async_copy(
                hp_hbm.at[sd_b.at[0]], rows_b, sem_gb).wait()
            pltpu.sync_copy(rows_b, acc.at[sd_b.at[1]], add=True)

            @pl.when(i < last)
            def _():
                pltpu.make_async_copy(
                    sdx_hbm.at[chunk, s, 2 * i + 2], sd_a, sem_ia).wait()
                pltpu.make_async_copy(
                    hp_hbm.at[sd_a.at[0]], rows_a, sem_ga).start()
                pltpu.make_async_copy(
                    sdx_hbm.at[chunk, s, 2 * i + 3], sd_b, sem_ib).start()

            return carry

        lax.fori_loop(0, nb_t // 2, body, 0)
        plsc.subcore_barrier()
        pltpu.sync_copy(acc.at[pl.ds(r0, ROWS_PER_TILE)],
                        out_hbm.at[chunk, pl.ds(r0, ROWS_PER_TILE)])


def _tc1_body(x_ref, w_ref, deg_ref, o_ref):
    x = x_ref[0]
    w = w_ref[0]
    dp = deg_ref[...]
    deg = dp[0, :, 0:1] + dp[1, :, 0:1] + 1.0
    dinv = lax.rsqrt(deg)
    h = lax.dot_general(x, w, (((1,), (1,)), ((), ())),
                        preferred_element_type=jnp.float32)
    o_ref[0] = h * dinv


def _tc2_body(acc_ref, deg_ref, b_ref, o_ref):
    dp = deg_ref[...]
    deg = dp[0, :, 0:1] + dp[1, :, 0:1] + 1.0
    dinv = lax.rsqrt(deg)
    o_ref[0] = acc_ref[0] * dinv + b_ref[0]


def kernel(x_r1, x_r2, x_i1, x_i2, edge_index, W1, W2, b_r1, b_r2, b_i1, b_i2):
    src = edge_index[0]
    dst = edge_index[1]
    x4 = jnp.stack([x_r1, x_r2, x_i1, x_i2])
    ws = jnp.stack([W1, W2, W1, W2])
    b4 = jnp.stack([b_r1, b_r2, b_i1, b_i2]).reshape(4, 1, D)
    ones16 = jnp.ones((B, 16), jnp.float32)
    zeros16 = jnp.zeros((NP, 16), jnp.float32)

    mesh = plsc.VectorSubcoreMesh(core_axis_name="c", subcore_axis_name="s")

    deg_kernel = functools.partial(
        pl.kernel,
        mesh=mesh,
        out_type=jax.ShapeDtypeStruct((2, NP, 16), jnp.float32),
        scratch_types=[
            pltpu.VMEM((EP_DEG // B, B), jnp.int32),
            pltpu.VMEM((B, 16), jnp.float32),
            pltpu.VMEM_SHARED((NP, 16), jnp.float32),
        ],
    )(_deg_kernel_body)
    dstd = dst.reshape(NTILE, EP_DEG // B, B)
    degp = deg_kernel(dstd, ones16, zeros16)

    nb = NP // BN
    hp = pl.pallas_call(
        _tc1_body,
        grid=(4, nb),
        in_specs=[
            pl.BlockSpec((1, BN, D), lambda c, i: (c, i, 0)),
            pl.BlockSpec((1, D, D), lambda c, i: (c, 0, 0)),
            pl.BlockSpec((2, BN, 16), lambda c, i: (0, i, 0)),
        ],
        out_specs=pl.BlockSpec((1, BN, D), lambda c, i: (c, i, 0)),
        out_shape=jax.ShapeDtypeStruct((4, NP, D), jnp.float32),
    )(x4, ws, degp)

    main_kernel = functools.partial(
        pl.kernel,
        mesh=mesh,
        out_type=jax.ShapeDtypeStruct((4, NP, D), jnp.float32),
        scratch_types=[
            pltpu.VMEM((2, B), jnp.int32),
            pltpu.VMEM((2, B), jnp.int32),
            pltpu.VMEM((B, D), jnp.float32),
            pltpu.VMEM((B, D), jnp.float32),
            pltpu.VMEM_SHARED((NP, D), jnp.float32),
            pltpu.SemaphoreType.DMA,
            pltpu.SemaphoreType.DMA,
            pltpu.SemaphoreType.DMA,
            pltpu.SemaphoreType.DMA,
        ],
    )(_main_kernel_body)
    nb_t = EP_MAIN // B
    srcp = (src[None, :] + (NP * jnp.arange(4, dtype=jnp.int32))[:, None])
    srcp4 = srcp.reshape(4, NSUB, nb_t, 1, B)
    dst4 = jnp.broadcast_to(dst.reshape(1, NSUB, nb_t, 1, B),
                            (4, NSUB, nb_t, 1, B))
    sdx = jnp.concatenate([srcp4, dst4], axis=3)
    accp = main_kernel(hp.reshape(4 * NP, D), sdx)

    out = pl.pallas_call(
        _tc2_body,
        grid=(4, nb),
        in_specs=[
            pl.BlockSpec((1, BN, D), lambda c, i: (c, i, 0)),
            pl.BlockSpec((2, BN, 16), lambda c, i: (0, i, 0)),
            pl.BlockSpec((1, 1, D), lambda c, i: (c, 0, 0)),
        ],
        out_specs=pl.BlockSpec((1, BN, D), lambda c, i: (c, i, 0)),
        out_shape=jax.ShapeDtypeStruct((4, NP, D), jnp.float32),
    )(accp, degp, b4)

    return (out[0, :N], out[1, :N], out[2, :N], out[3, :N])

# --- scband reference (transcript-rebuilt; emitter-appended) ---
"""Pipeline reference for scband-two-real-two-imaginary-gcnlayer-31293131719204 (READ-ONLY COPY).

The authoritative reference and input builder live on the scoring server;
editing this copy changes nothing except your own understanding.
"""

import jax, jax.numpy as jnp
import numpy as np

N = 10000
E = 320000
D_IN = 128
D_OUT = 128


def setup_inputs(seed: int = 0) -> dict:
    key = jax.random.key(seed)
    ks = jax.random.split(key, 8)
    inp = {}
    inp["x_r1"] = jax.random.normal(ks[0], (N, D_IN), dtype=jnp.float32)
    inp["x_r2"] = jax.random.normal(ks[1], (N, D_IN), dtype=jnp.float32)
    inp["x_i1"] = jax.random.normal(ks[2], (N, D_IN), dtype=jnp.float32)
    inp["x_i2"] = jax.random.normal(ks[3], (N, D_IN), dtype=jnp.float32)
    inp["edge_index"] = jax.random.randint(ks[4], (2, E), 0, N, dtype=jnp.int32)
    scale = 1.0 / np.sqrt(D_IN)
    # W1 shared by real1/imag1 convs, W2 shared by real2/imag2 convs (weight tying in original module)
    inp["W1"] = jax.random.uniform(ks[5], (D_OUT, D_IN), minval=-scale, maxval=scale, dtype=jnp.float32)
    inp["W2"] = jax.random.uniform(ks[6], (D_OUT, D_IN), minval=-scale, maxval=scale, dtype=jnp.float32)
    # GCNConv's own (post-aggregation) bias; not tied in the original module (lin.bias is None in PyG GCNConv)
    inp["b_r1"] = jnp.zeros((D_OUT,), dtype=jnp.float32)
    inp["b_r2"] = jnp.zeros((D_OUT,), dtype=jnp.float32)
    inp["b_i1"] = jnp.zeros((D_OUT,), dtype=jnp.float32)
    inp["b_i2"] = jnp.zeros((D_OUT,), dtype=jnp.float32)
    return inp


def _gcn_conv(x, W, b, src, dst, n):
    # PyG GCNConv with add_self_loops=True, normalize=True (symmetric D^-1/2 A D^-1/2)
    loop = jnp.arange(n, dtype=src.dtype)
    s = jnp.concatenate([src, loop])
    d = jnp.concatenate([dst, loop])
    deg = jnp.zeros((n,), x.dtype).at[d].add(1.0)
    dinv = jnp.where(deg > 0, 1.0 / jnp.sqrt(deg), 0.0)
    norm = dinv[s] * dinv[d]
    h = x @ W.T
    msg = norm[:, None] * jnp.take(h, s, axis=0)
    out = jnp.zeros((n, h.shape[1]), x.dtype).at[d].add(msg)
    return out + b


def reference(x_r1, x_r2, x_i1, x_i2, edge_index, W1, W2, b_r1, b_r2, b_i1, b_i2):
    src = edge_index[0]
    dst = edge_index[1]
    n = x_r1.shape[0]
    h_r1 = _gcn_conv(x_r1, W1, b_r1, src, dst, n)
    h_r2 = _gcn_conv(x_r2, W2, b_r2, src, dst, n)
    h_i1 = _gcn_conv(x_i1, W1, b_i1, src, dst, n)
    h_i2 = _gcn_conv(x_i2, W2, b_i2, src, dst, n)
    return (h_r1, h_r2, h_i1, h_i2)

if __name__ == "__main__":
    import jax
    _d = setup_inputs()
    print(jax.jit(kernel)(*tuple(_d.values())))

</pallas_src>

<mosaic_0001>
#map = affine_map<(d0, d1) -> (0, 0)>
#map1 = affine_map<(d0, d1) -> (0, 0, 0, 0, 0)>
#map2 = affine_map<(d0, d1) -> (0, 0, 0)>
module attributes {stable_mosaic.version = 14 : i64} {
  func.func @_main_kernel_body(%arg0: i32, %arg1: i32, %arg2: memref<40960x128xf32, #tpu.memory_space<hbm>>, %arg3: memref<4x16x250x2x80xi32, #tpu.memory_space<hbm>>, %arg4: memref<4x10240x128xf32, #tpu.memory_space<hbm>>, %arg5: memref<2x80xi32, #tpu.memory_space<vmem>>, %arg6: memref<2x80xi32, #tpu.memory_space<vmem>>, %arg7: memref<80x128xf32, #tpu.memory_space<vmem>>, %arg8: memref<80x128xf32, #tpu.memory_space<vmem>>, %arg9: memref<10240x128xf32, #tpu.memory_space<vmem_shared>>, %arg10: memref<!tpu.dma_semaphore, #tpu.memory_space<semaphore_mem>>, %arg11: memref<!tpu.dma_semaphore, #tpu.memory_space<semaphore_mem>>, %arg12: memref<!tpu.dma_semaphore, #tpu.memory_space<semaphore_mem>>, %arg13: memref<!tpu.dma_semaphore, #tpu.memory_space<semaphore_mem>>) attributes {dimension_semantics = [#tpu.dimension_semantics<core_parallel>, #tpu.dimension_semantics<subcore_parallel>], iteration_bounds = array<i64: 2, 16>, scalar_prefetch = 0 : i64, scratch_operands = 9 : i64, tpu.core_type = #tpu.core_type<sc_vector_subcore>, window_params = [{transform_indices = #map}, {transform_indices = #map1}, {transform_indices = #map2}]} {
    %mul3A = arith.constant 640 : i32
    %mul3A_0 = arith.muli %arg1, %mul3A : i32
    %mul3A_1 = arith.constant 2 : i32
    %mul3A_2 = arith.muli %arg0, %mul3A_1 : i32
    %add3A = arith.constant 0 : i32
    %add3A_3 = arith.addi %mul3A_2, %add3A : i32
    %mul3A_4 = arith.constant 10240 : i32
    %mul3A_5 = arith.muli %add3A_3, %mul3A_4 : i32
    %add3A_6 = arith.addi %mul3A_5, %mul3A_0 : i32
    "tpu.region"() ({
      %run_scoped3A_60 = tpu.sem_alloc : memref<!tpu.dma_semaphore, #tpu.memory_space<semaphore_mem>>
      %dma_start3A_61 = arith.constant 0 : i32
      %dma_start3A_62 = tpu.memref_slice %arg9[%mul3A_0, %dma_start3A_61] : memref<10240x128xf32, #tpu.memory_space<vmem_shared>> -> memref<640x128xf32, #tpu.memory_space<vmem_shared>>
      %dma_start3A_63 = arith.constant 0 : i32
      %dma_start3A_64 = tpu.memref_slice %arg2[%add3A_6, %dma_start3A_63] : memref<40960x128xf32, #tpu.memory_space<hbm>> -> memref<640x128xf32, #tpu.memory_space<hbm>>
      tpu.enqueue_dma source(%dma_start3A_64 : memref<640x128xf32, #tpu.memory_space<hbm>>) target(%dma_start3A_62 : memref<640x128xf32, #tpu.memory_space<vmem_shared>>) target_semaphore(%run_scoped3A_60 : memref<!tpu.dma_semaphore, #tpu.memory_space<semaphore_mem>>)
      %dma_wait3A = arith.constant 0 : i32
      %dma_wait3A_65 = tpu.memref_slice %arg9[%mul3A_0, %dma_wait3A] : memref<10240x128xf32, #tpu.memory_space<vmem_shared>> -> memref<640x128xf32, #tpu.memory_space<vmem_shared>>
      %dma_wait3A_66 = arith.constant 0 : i32
      %dma_wait3A_67 = tpu.memref_slice %arg2[%add3A_6, %dma_wait3A_66] : memref<40960x128xf32, #tpu.memory_space<hbm>> -> memref<640x128xf32, #tpu.memory_space<hbm>>
      tpu.wait_dma2 semaphore(%run_scoped3A_60 : memref<!tpu.dma_semaphore, #tpu.memory_space<semaphore_mem>>) src(%dma_wait3A_67 : memref<640x128xf32, #tpu.memory_space<hbm>>) dst(%dma_wait3A_65 : memref<640x128xf32, #tpu.memory_space<vmem_shared>>)
      tpu.yield
    }) : () -> ()
    %barrier3A = arith.constant 0 : index
    tpu.barrier barrier_id(%barrier3A)
    %run_scoped3A = arith.constant 0 : i32
    "tpu.region"() ({
      %run_scoped3A_60 = tpu.sem_alloc : memref<!tpu.dma_semaphore, #tpu.memory_space<semaphore_mem>>
      %dma_start3A_61 = arith.constant 0 : i32
      %dma_start3A_62 = arith.constant 0 : i32
      %dma_start3A_63 = tpu.memref_slice %arg3[%add3A_3, %arg1, %run_scoped3A, %dma_start3A_61, %dma_start3A_62] : memref<4x16x250x2x80xi32, #tpu.memory_space<hbm>> -> memref<1x1x1x2x80xi32, #tpu.memory_space<hbm>>
      %dma_start3A_64 = tpu.memref_squeeze %dma_start3A_63 : memref<1x1x1x2x80xi32, #tpu.memory_space<hbm>> -> memref<2x80xi32, #tpu.memory_space<hbm>>
      %dma_start3A_65 = arith.constant 0 : i32
      %dma_start3A_66 = arith.constant 0 : i32
      %dma_start3A_67 = tpu.memref_slice %arg3[%add3A_3, %arg1, %run_scoped3A, %dma_start3A_65, %dma_start3A_66] : memref<4x16x250x2x80xi32, #tpu.memory_space<hbm>> -> memref<1x1x1x2x80xi32, #tpu.memory_space<hbm>>
      %dma_start3A_68 = tpu.memref_squeeze %dma_start3A_67 : memref<1x1x1x2x80xi32, #tpu.memory_space<hbm>> -> memref<2x80xi32, #tpu.memory_space<hbm>>
      tpu.enqueue_dma source(%dma_start3A_68 : memref<2x80xi32, #tpu.memory_space<hbm>>) target(%arg5 : memref<2x80xi32, #tpu.memory_space<vmem>>) target_semaphore(%run_scoped3A_60 : memref<!tpu.dma_semaphore, #tpu.memory_space<semaphore_mem>>)
      %dma_wait3A = arith.constant 0 : i32
      %dma_wait3A_69 = arith.constant 0 : i32
      %dma_wait3A_70 = tpu.memref_slice %arg3[%add3A_3, %arg1, %run_scoped3A, %dma_wait3A, %dma_wait3A_69] : memref<4x16x250x2x80xi32, #tpu.memory_space<hbm>> -> memref<1x1x1x2x80xi32, #tpu.memory_space<hbm>>
      %dma_wait3A_71 = tpu.memref_squeeze %dma_wait3A_70 : memref<1x1x1x2x80xi32, #tpu.memory_space<hbm>> -> memref<2x80xi32, #tpu.memory_space<hbm>>
      %dma_wait3A_72 = arith.constant 0 : i32
      %dma_wait3A_73 = arith.constant 0 : i32
      %dma_wait3A_74 = tpu.memref_slice %arg3[%add3A_3, %arg1, %run_scoped3A, %dma_wait3A_72, %dma_wait3A_73] : memref<4x16x250x2x80xi32, #tpu.memory_space<hbm>> -> memref<1x1x1x2x80xi32, #tpu.memory_space<hbm>>
      %dma_wait3A_75 = tpu.memref_squeeze %dma_wait3A_74 : memref<1x1x1x2x80xi32, #tpu.memory_space<hbm>> -> memref<2x80xi32, #tpu.memory_space<hbm>>
      tpu.wait_dma2 semaphore(%run_scoped3A_60 : memref<!tpu.dma_semaphore, #tpu.memory_space<semaphore_mem>>) src(%dma_wait3A_75 : memref<2x80xi32, #tpu.memory_space<hbm>>) dst(%arg5 : memref<2x80xi32, #tpu.memory_space<vmem>>)
      tpu.yield
    }) : () -> ()
    %dma_start3A = arith.constant 0 : i32
    %dma_start3A_7 = arith.constant 0 : i32
    %dma_start3A_8 = tpu.memref_slice %arg5[%dma_start3A, %dma_start3A_7] : memref<2x80xi32, #tpu.memory_space<vmem>> -> memref<1x80xi32, #tpu.memory_space<vmem>>
    %dma_start3A_9 = tpu.memref_squeeze %dma_start3A_8 : memref<1x80xi32, #tpu.memory_space<vmem>> -> memref<80xi32, #tpu.memory_space<vmem>>
    %dma_start3A_10 = arith.constant 0 : i32
    %dma_start3A_11 = arith.constant 0 : i32
    %dma_start3A_12 = tpu.memref_slice %arg2[%dma_start3A_10, %dma_start3A_11] : memref<40960x128xf32, #tpu.memory_space<hbm>> -> memref<40960x128xf32, #tpu.memory_space<hbm>>
    tpu.enqueue_indirect_dma source(%dma_start3A_12 : memref<40960x128xf32, #tpu.memory_space<hbm>>) target(%arg7 : memref<80x128xf32, #tpu.memory_space<vmem>>) offsets(%dma_start3A_9 : memref<80xi32, #tpu.memory_space<vmem>>) semaphore(%arg10 : memref<!tpu.dma_semaphore, #tpu.memory_space<semaphore_mem>>)
    %dma_start3A_13 = arith.constant 1 : i32
    %dma_start3A_14 = arith.constant 0 : i32
    %dma_start3A_15 = arith.constant 0 : i32
    %dma_start3A_16 = tpu.memref_slice %arg3[%add3A_3, %arg1, %dma_start3A_13, %dma_start3A_14, %dma_start3A_15] : memref<4x16x250x2x80xi32, #tpu.memory_space<hbm>> -> memref<1x1x1x2x80xi32, #tpu.memory_space<hbm>>
    %dma_start3A_17 = tpu.memref_squeeze %dma_start3A_16 : memref<1x1x1x2x80xi32, #tpu.memory_space<hbm>> -> memref<2x80xi32, #tpu.memory_space<hbm>>
    %dma_start3A_18 = arith.constant 0 : i32
    %dma_start3A_19 = arith.constant 0 : i32
    %dma_start3A_20 = tpu.memref_slice %arg3[%add3A_3, %arg1, %dma_start3A_13, %dma_start3A_18, %dma_start3A_19] : memref<4x16x250x2x80xi32, #tpu.memory_space<hbm>> -> memref<1x1x1x2x80xi32, #tpu.memory_space<hbm>>
    %dma_start3A_21 = tpu.memref_squeeze %dma_start3A_20 : memref<1x1x1x2x80xi32, #tpu.memory_space<hbm>> -> memref<2x80xi32, #tpu.memory_space<hbm>>
    tpu.enqueue_dma source(%dma_start3A_21 : memref<2x80xi32, #tpu.memory_space<hbm>>) target(%arg6 : memref<2x80xi32, #tpu.memory_space<vmem>>) target_semaphore(%arg13 : memref<!tpu.dma_semaphore, #tpu.memory_space<semaphore_mem>>)
    %scan3A = arith.constant 0 : i32
    %scan3A_22 = arith.constant 0 : i32
    %scan3A_23 = arith.constant 125 : i32
    %scan3A_24 = arith.addi %scan3A_22, %scan3A_23 : i32
    %scan3A_25 = arith.constant 1 : i32
    scf.for %scan3A_60 = %scan3A_22 to %scan3A_24 step %scan3A_25  : i32 {
      %mul3A_61 = arith.constant 2 : i32
      %mul3A_62 = arith.muli %mul3A_61, %scan3A_60 : i32
      %add3A_63 = arith.constant 1 : i32
      %add3A_64 = arith.addi %mul3A_62, %add3A_63 : i32
      %dma_wait3A = arith.constant 0 : i32
      %dma_wait3A_65 = arith.constant 0 : i32
      %dma_wait3A_66 = tpu.memref_slice %arg3[%add3A_3, %arg1, %add3A_64, %dma_wait3A, %dma_wait3A_65] : memref<4x16x250x2x80xi32, #tpu.memory_space<hbm>> -> memref<1x1x1x2x80xi32, #tpu.memory_space<hbm>>
      %dma_wait3A_67 = tpu.memref_squeeze %dma_wait3A_66 : memref<1x1x1x2x80xi32, #tpu.memory_space<hbm>> -> memref<2x80xi32, #tpu.memory_space<hbm>>
      %dma_wait3A_68 = arith.constant 0 : i32
      %dma_wait3A_69 = arith.constant 0 : i32
      %dma_wait3A_70 = tpu.memref_slice %arg3[%add3A_3, %arg1, %add3A_64, %dma_wait3A_68, %dma_wait3A_69] : memref<4x16x250x2x80xi32, #tpu.memory_space<hbm>> -> memref<1x1x1x2x80xi32, #tpu.memory_space<hbm>>
      %dma_wait3A_71 = tpu.memref_squeeze %dma_wait3A_70 : memref<1x1x1x2x80xi32, #tpu.memory_space<hbm>> -> memref<2x80xi32, #tpu.memory_space<hbm>>
      tpu.wait_dma2 semaphore(%arg13 : memref<!tpu.dma_semaphore, #tpu.memory_space<semaphore_mem>>) src(%dma_wait3A_71 : memref<2x80xi32, #tpu.memory_space<hbm>>) dst(%arg6 : memref<2x80xi32, #tpu.memory_space<vmem>>)
      %dma_start3A_72 = arith.constant 0 : i32
      %dma_start3A_73 = arith.constant 0 : i32
      %dma_start3A_74 = tpu.memref_slice %arg6[%dma_start3A_72, %dma_start3A_73] : memref<2x80xi32, #tpu.memory_space<vmem>> -> memref<1x80xi32, #tpu.memory_space<vmem>>
      %dma_start3A_75 = tpu.memref_squeeze %dma_start3A_74 : memref<1x80xi32, #tpu.memory_space<vmem>> -> memref<80xi32, #tpu.memory_space<vmem>>
      %dma_start3A_76 = arith.constant 0 : i32
      %dma_start3A_77 = arith.constant 0 : i32
      %dma_start3A_78 = tpu.memref_slice %arg2[%dma_start3A_76, %dma_start3A_77] : memref<40960x128xf32, #tpu.memory_space<hbm>> -> memref<40960x128xf32, #tpu.memory_space<hbm>>
      tpu.enqueue_indirect_dma source(%dma_start3A_78 : memref<40960x128xf32, #tpu.memory_space<hbm>>) target(%arg8 : memref<80x128xf32, #tpu.memory_space<vmem>>) offsets(%dma_start3A_75 : memref<80xi32, #tpu.memory_space<vmem>>) semaphore(%arg11 : memref<!tpu.dma_semaphore, #tpu.memory_space<semaphore_mem>>)
      %dma_wait3A_79 = arith.constant 0 : i32
      %dma_wait3A_80 = arith.constant 0 : i32
      %dma_wait3A_81 = tpu.memref_slice %arg5[%dma_wait3A_79, %dma_wait3A_80] : memref<2x80xi32, #tpu.memory_space<vmem>> -> memref<1x80xi32, #tpu.memory_space<vmem>>
      %dma_wait3A_82 = tpu.memref_squeeze %dma_wait3A_81 : memref<1x80xi32, #tpu.memory_space<vmem>> -> memref<80xi32, #tpu.memory_space<vmem>>
      %dma_wait3A_83 = arith.constant 0 : i32
      %dma_wait3A_84 = arith.constant 0 : i32
      %dma_wait3A_85 = tpu.memref_slice %arg2[%dma_wait3A_83, %dma_wait3A_84] : memref<40960x128xf32, #tpu.memory_space<hbm>> -> memref<40960x128xf32, #tpu.memory_space<hbm>>
      tpu.wait_indirect_dma semaphore(%arg10 : memref<!tpu.dma_semaphore, #tpu.memory_space<semaphore_mem>>) src(%dma_wait3A_85 : memref<40960x128xf32, #tpu.memory_space<hbm>>) dst(%arg7 : memref<80x128xf32, #tpu.memory_space<vmem>>)
      %run_scoped3A_86 = arith.constant 1 : i32
      "tpu.region"() ({
        %run_scoped3A_102 = tpu.sem_alloc : memref<!tpu.dma_semaphore, #tpu.memory_space<semaphore_mem>>
        %dma_start3A_103 = arith.constant 0 : i32
        %dma_start3A_104 = tpu.memref_slice %arg5[%run_scoped3A_86, %dma_start3A_103] : memref<2x80xi32, #tpu.memory_space<vmem>> -> memref<1x80xi32, #tpu.memory_space<vmem>>
        %dma_start3A_105 = tpu.memref_squeeze %dma_start3A_104 : memref<1x80xi32, #tpu.memory_space<vmem>> -> memref<80xi32, #tpu.memory_space<vmem>>
        %dma_start3A_106 = arith.constant 0 : i32
        %dma_start3A_107 = arith.constant 0 : i32
        %dma_start3A_108 = tpu.memref_slice %arg9[%dma_start3A_106, %dma_start3A_107] : memref<10240x128xf32, #tpu.memory_space<vmem_shared>> -> memref<10240x128xf32, #tpu.memory_space<vmem_shared>>
        tpu.enqueue_indirect_dma source(%arg7 : memref<80x128xf32, #tpu.memory_space<vmem>>) target(%dma_start3A_108 : memref<10240x128xf32, #tpu.memory_space<vmem_shared>>) offsets(%dma_start3A_105 : memref<80xi32, #tpu.memory_space<vmem>>) semaphore(%run_scoped3A_102 : memref<!tpu.dma_semaphore, #tpu.memory_space<semaphore_mem>>) {add = true}
        %dma_wait3A_109 = arith.constant 0 : i32
        %dma_wait3A_110 = tpu.memref_slice %arg5[%run_scoped3A_86, %dma_wait3A_109] : memref<2x80xi32, #tpu.memory_space<vmem>> -> memref<1x80xi32, #tpu.memory_space<vmem>>
        %dma_wait3A_111 = tpu.memref_squeeze %dma_wait3A_110 : memref<1x80xi32, #tpu.memory_space<vmem>> -> memref<80xi32, #tpu.memory_space<vmem>>
        %dma_wait3A_112 = arith.constant 0 : i32
        %dma_wait3A_113 = arith.constant 0 : i32
        %dma_wait3A_114 = tpu.memref_slice %arg9[%dma_wait3A_112, %dma_wait3A_113] : memref<10240x128xf32, #tpu.memory_space<vmem_shared>> -> memref<10240x128xf32, #tpu.memory_space<vmem_shared>>
        tpu.wait_indirect_dma semaphore(%run_scoped3A_102 : memref<!tpu.dma_semaphore, #tpu.memory_space<semaphore_mem>>) src(%arg7 : memref<80x128xf32, #tpu.memory_space<vmem>>) dst(%dma_wait3A_114 : memref<10240x128xf32, #tpu.memory_space<vmem_shared>>)
        tpu.yield
      }) : () -> ()
      %lt3A = arith.constant 124 : i32
      %lt3A_87 = arith.cmpi slt, %scan3A_60, %lt3A : i32
      %convert_element_type3A = arith.extui %lt3A_87 : i1 to i32
      %cond3A = arith.constant 0 : i32
      %cond3A_88 = arith.cmpi ne, %convert_element_type3A, %cond3A : i32
      scf.if %cond3A_88 {
        %mul3A_102 = arith.constant 2 : i32
        %mul3A_103 = arith.muli %mul3A_102, %scan3A_60 : i32
        %add3A_104 = arith.constant 2 : i32
        %add3A_105 = arith.addi %mul3A_103, %add3A_104 : i32
        %dma_start3A_106 = arith.constant 0 : i32
        %dma_start3A_107 = arith.constant 0 : i32
        %dma_start3A_108 = tpu.memref_slice %arg3[%add3A_3, %arg1, %add3A_105, %dma_start3A_106, %dma_start3A_107] : memref<4x16x250x2x80xi32, #tpu.memory_space<hbm>> -> memref<1x1x1x2x80xi32, #tpu.memory_space<hbm>>
        %dma_start3A_109 = tpu.memref_squeeze %dma_start3A_108 : memref<1x1x1x2x80xi32, #tpu.memory_space<hbm>> -> memref<2x80xi32, #tpu.memory_space<hbm>>
        %dma_start3A_110 = arith.constant 0 : i32
        %dma_start3A_111 = arith.constant 0 : i32
        %dma_start3A_112 = tpu.memref_slice %arg3[%add3A_3, %arg1, %add3A_105, %dma_start3A_110, %dma_start3A_111] : memref<4x16x250x2x80xi32, #tpu.memory_space<hbm>> -> memref<1x1x1x2x80xi32, #tpu.memory_space<hbm>>
        %dma_start3A_113 = tpu.memref_squeeze %dma_start3A_112 : memref<1x1x1x2x80xi32, #tpu.memory_space<hbm>> -> memref<2x80xi32, #tpu.memory_space<hbm>>
        tpu.enqueue_dma source(%dma_start3A_113 : memref<2x80xi32, #tpu.memory_space<hbm>>) target(%arg5 : memref<2x80xi32, #tpu.memory_space<vmem>>) target_semaphore(%arg12 : memref<!tpu.dma_semaphore, #tpu.memory_space<semaphore_mem>>)
      } else {
      }
      %dma_wait3A_89 = arith.constant 0 : i32
      %dma_wait3A_90 = arith.constant 0 : i32
      %dma_wait3A_91 = tpu.memref_slice %arg6[%dma_wait3A_89, %dma_wait3A_90] : memref<2x80xi32, #tpu.memory_space<vmem>> -> memref<1x80xi32, #tpu.memory_space<vmem>>
      %dma_wait3A_92 = tpu.memref_squeeze %dma_wait3A_91 : memref<1x80xi32, #tpu.memory_space<vmem>> -> memref<80xi32, #tpu.memory_space<vmem>>
      %dma_wait3A_93 = arith.constant 0 : i32
      %dma_wait3A_94 = arith.constant 0 : i32
      %dma_wait3A_95 = tpu.memref_slice %arg2[%dma_wait3A_93, %dma_wait3A_94] : memref<40960x128xf32, #tpu.memory_space<hbm>> -> memref<40960x128xf32, #tpu.memory_space<hbm>>
      tpu.wait_indirect_dma semaphore(%arg11 : memref<!tpu.dma_semaphore, #tpu.memory_space<semaphore_mem>>) src(%dma_wait3A_95 : memref<40960x128xf32, #tpu.memory_space<hbm>>) dst(%arg8 : memref<80x128xf32, #tpu.memory_space<vmem>>)
      %run_scoped3A_96 = arith.constant 1 : i32
      "tpu.region"() ({
        %run_scoped3A_102 = tpu.sem_alloc : memref<!tpu.dma_semaphore, #tpu.memory_space<semaphore_mem>>
        %dma_start3A_103 = arith.constant 0 : i32
        %dma_start3A_104 = tpu.memref_slice %arg6[%run_scoped3A_96, %dma_start3A_103] : memref<2x80xi32, #tpu.memory_space<vmem>> -> memref<1x80xi32, #tpu.memory_space<vmem>>
        %dma_start3A_105 = tpu.memref_squeeze %dma_start3A_104 : memref<1x80xi32, #tpu.memory_space<vmem>> -> memref<80xi32, #tpu.memory_space<vmem>>
        %dma_start3A_106 = arith.constant 0 : i32
        %dma_start3A_107 = arith.constant 0 : i32
        %dma_start3A_108 = tpu.memref_slice %arg9[%dma_start3A_106, %dma_start3A_107] : memref<10240x128xf32, #tpu.memory_space<vmem_shared>> -> memref<10240x128xf32, #tpu.memory_space<vmem_shared>>
        tpu.enqueue_indirect_dma source(%arg8 : memref<80x128xf32, #tpu.memory_space<vmem>>) target(%dma_start3A_108 : memref<10240x128xf32, #tpu.memory_space<vmem_shared>>) offsets(%dma_start3A_105 : memref<80xi32, #tpu.memory_space<vmem>>) semaphore(%run_scoped3A_102 : memref<!tpu.dma_semaphore, #tpu.memory_space<semaphore_mem>>) {add = true}
        %dma_wait3A_109 = arith.constant 0 : i32
        %dma_wait3A_110 = tpu.memref_slice %arg6[%run_scoped3A_96, %dma_wait3A_109] : memref<2x80xi32, #tpu.memory_space<vmem>> -> memref<1x80xi32, #tpu.memory_space<vmem>>
        %dma_wait3A_111 = tpu.memref_squeeze %dma_wait3A_110 : memref<1x80xi32, #tpu.memory_space<vmem>> -> memref<80xi32, #tpu.memory_space<vmem>>
        %dma_wait3A_112 = arith.constant 0 : i32
        %dma_wait3A_113 = arith.constant 0 : i32
        %dma_wait3A_114 = tpu.memref_slice %arg9[%dma_wait3A_112, %dma_wait3A_113] : memref<10240x128xf32, #tpu.memory_space<vmem_shared>> -> memref<10240x128xf32, #tpu.memory_space<vmem_shared>>
        tpu.wait_indirect_dma semaphore(%run_scoped3A_102 : memref<!tpu.dma_semaphore, #tpu.memory_space<semaphore_mem>>) src(%arg8 : memref<80x128xf32, #tpu.memory_space<vmem>>) dst(%dma_wait3A_114 : memref<10240x128xf32, #tpu.memory_space<vmem_shared>>)
        tpu.yield
      }) : () -> ()
      %lt3A_97 = arith.constant 124 : i32
      %lt3A_98 = arith.cmpi slt, %scan3A_60, %lt3A_97 : i32
      %convert_element_type3A_99 = arith.extui %lt3A_98 : i1 to i32
      %cond3A_100 = arith.constant 0 : i32
      %cond3A_101 = arith.cmpi ne, %convert_element_type3A_99, %cond3A_100 : i32
      scf.if %cond3A_101 {
        %mul3A_102 = arith.constant 2 : i32
        %mul3A_103 = arith.muli %mul3A_102, %scan3A_60 : i32
        %add3A_104 = arith.constant 2 : i32
        %add3A_105 = arith.addi %mul3A_103, %add3A_104 : i32
        %dma_wait3A_106 = arith.constant 0 : i32
        %dma_wait3A_107 = arith.constant 0 : i32
        %dma_wait3A_108 = tpu.memref_slice %arg3[%add3A_3, %arg1, %add3A_105, %dma_wait3A_106, %dma_wait3A_107] : memref<4x16x250x2x80xi32, #tpu.memory_space<hbm>> -> memref<1x1x1x2x80xi32, #tpu.memory_space<hbm>>
        %dma_wait3A_109 = tpu.memref_squeeze %dma_wait3A_108 : memref<1x1x1x2x80xi32, #tpu.memory_space<hbm>> -> memref<2x80xi32, #tpu.memory_space<hbm>>
        %dma_wait3A_110 = arith.constant 0 : i32
        %dma_wait3A_111 = arith.constant 0 : i32
        %dma_wait3A_112 = tpu.memref_slice %arg3[%add3A_3, %arg1, %add3A_105, %dma_wait3A_110, %dma_wait3A_111] : memref<4x16x250x2x80xi32, #tpu.memory_space<hbm>> -> memref<1x1x1x2x80xi32, #tpu.memory_space<hbm>>
        %dma_wait3A_113 = tpu.memref_squeeze %dma_wait3A_112 : memref<1x1x1x2x80xi32, #tpu.memory_space<hbm>> -> memref<2x80xi32, #tpu.memory_space<hbm>>
        tpu.wait_dma2 semaphore(%arg12 : memref<!tpu.dma_semaphore, #tpu.memory_space<semaphore_mem>>) src(%dma_wait3A_113 : memref<2x80xi32, #tpu.memory_space<hbm>>) dst(%arg5 : memref<2x80xi32, #tpu.memory_space<vmem>>)
        %dma_start3A_114 = arith.constant 0 : i32
        %dma_start3A_115 = arith.constant 0 : i32
        %dma_start3A_116 = tpu.memref_slice %arg5[%dma_start3A_114, %dma_start3A_115] : memref<2x80xi32, #tpu.memory_space<vmem>> -> memref<1x80xi32, #tpu.memory_space<vmem>>
        %dma_start3A_117 = tpu.memref_squeeze %dma_start3A_116 : memref<1x80xi32, #tpu.memory_space<vmem>> -> memref<80xi32, #tpu.memory_space<vmem>>
        %dma_start3A_118 = arith.constant 0 : i32
        %dma_start3A_119 = arith.constant 0 : i32
        %dma_start3A_120 = tpu.memref_slice %arg2[%dma_start3A_118, %dma_start3A_119] : memref<40960x128xf32, #tpu.memory_space<hbm>> -> memref<40960x128xf32, #tpu.memory_space<hbm>>
        tpu.enqueue_indirect_dma source(%dma_start3A_120 : memref<40960x128xf32, #tpu.memory_space<hbm>>) target(%arg7 : memref<80x128xf32, #tpu.memory_space<vmem>>) offsets(%dma_start3A_117 : memref<80xi32, #tpu.memory_space<vmem>>) semaphore(%arg10 : memref<!tpu.dma_semaphore, #tpu.memory_space<semaphore_mem>>)
        %mul3A_121 = arith.constant 2 : i32
        %mul3A_122 = arith.muli %mul3A_121, %scan3A_60 : i32
        %add3A_123 = arith.constant 3 : i32
        %add3A_124 = arith.addi %mul3A_122, %add3A_123 : i32
        %dma_start3A_125 = arith.constant 0 : i32
        %dma_start3A_126 = arith.constant 0 : i32
        %dma_start3A_127 = tpu.memref_slice %arg3[%add3A_3, %arg1, %add3A_124, %dma_start3A_125, %dma_start3A_126] : memref<4x16x250x2x80xi32, #tpu.memory_space<hbm>> -> memref<1x1x1x2x80xi32, #tpu.memory_space<hbm>>
        %dma_start3A_128 = tpu.memref_squeeze %dma_start3A_127 : memref<1x1x1x2x80xi32, #tpu.memory_space<hbm>> -> memref<2x80xi32, #tpu.memory_space<hbm>>
        %dma_start3A_129 = arith.constant 0 : i32
        %dma_start3A_130 = arith.constant 0 : i32
        %dma_start3A_131 = tpu.memref_slice %arg3[%add3A_3, %arg1, %add3A_124, %dma_start3A_129, %dma_start3A_130] : memref<4x16x250x2x80xi32, #tpu.memory_space<hbm>> -> memref<1x1x1x2x80xi32, #tpu.memory_space<hbm>>
        %dma_start3A_132 = tpu.memref_squeeze %dma_start3A_131 : memref<1x1x1x2x80xi32, #tpu.memory_space<hbm>> -> memref<2x80xi32, #tpu.memory_space<hbm>>
        tpu.enqueue_dma source(%dma_start3A_132 : memref<2x80xi32, #tpu.memory_space<hbm>>) target(%arg6 : memref<2x80xi32, #tpu.memory_space<vmem>>) target_semaphore(%arg13 : memref<!tpu.dma_semaphore, #tpu.memory_space<semaphore_mem>>)
      } else {
      }
    }
    %scan3A_26 = arith.constant 125 : i32
    %barrier3A_27 = arith.constant 0 : index
    tpu.barrier barrier_id(%barrier3A_27)
    "tpu.region"() ({
      %run_scoped3A_60 = tpu.sem_alloc : memref<!tpu.dma_semaphore, #tpu.memory_space<semaphore_mem>>
      %dma_start3A_61 = arith.constant 0 : i32
      %dma_start3A_62 = tpu.memref_slice %arg4[%add3A_3, %mul3A_0, %dma_start3A_61] : memref<4x10240x128xf32, #tpu.memory_space<hbm>> -> memref<1x640x128xf32, #tpu.memory_space<hbm>>
      %dma_start3A_63 = tpu.memref_squeeze %dma_start3A_62 : memref<1x640x128xf32, #tpu.memory_space<hbm>> -> memref<640x128xf32, #tpu.memory_space<hbm>>
      %dma_start3A_64 = arith.constant 0 : i32
      %dma_start3A_65 = tpu.memref_slice %arg9[%mul3A_0, %dma_start3A_64] : memref<10240x128xf32, #tpu.memory_space<vmem_shared>> -> memref<640x128xf32, #tpu.memory_space<vmem_shared>>
      tpu.enqueue_dma source(%dma_start3A_65 : memref<640x128xf32, #tpu.memory_space<vmem_shared>>) target(%dma_start3A_63 : memref<640x128xf32, #tpu.memory_space<hbm>>) target_semaphore(%run_scoped3A_60 : memref<!tpu.dma_semaphore, #tpu.memory_space<semaphore_mem>>)
      %dma_wait3A = arith.constant 0 : i32
      %dma_wait3A_66 = tpu.memref_slice %arg4[%add3A_3, %mul3A_0, %dma_wait3A] : memref<4x10240x128xf32, #tpu.memory_space<hbm>> -> memref<1x640x128xf32, #tpu.memory_space<hbm>>
      %dma_wait3A_67 = tpu.memref_squeeze %dma_wait3A_66 : memref<1x640x128xf32, #tpu.memory_space<hbm>> -> memref<640x128xf32, #tpu.memory_space<hbm>>
      %dma_wait3A_68 = arith.constant 0 : i32
      %dma_wait3A_69 = tpu.memref_slice %arg9[%mul3A_0, %dma_wait3A_68] : memref<10240x128xf32, #tpu.memory_space<vmem_shared>> -> memref<640x128xf32, #tpu.memory_space<vmem_shared>>
      tpu.wait_dma2 semaphore(%run_scoped3A_60 : memref<!tpu.dma_semaphore, #tpu.memory_space<semaphore_mem>>) src(%dma_wait3A_69 : memref<640x128xf32, #tpu.memory_space<vmem_shared>>) dst(%dma_wait3A_67 : memref<640x128xf32, #tpu.memory_space<hbm>>)
      tpu.yield
    }) : () -> ()
    %mul3A_28 = arith.constant 2 : i32
    %mul3A_29 = arith.muli %arg0, %mul3A_28 : i32
    %add3A_30 = arith.constant 1 : i32
    %add3A_31 = arith.addi %mul3A_29, %add3A_30 : i32
    %mul3A_32 = arith.constant 10240 : i32
    %mul3A_33 = arith.muli %add3A_31, %mul3A_32 : i32
    %add3A_34 = arith.addi %mul3A_33, %mul3A_0 : i32
    "tpu.region"() ({
      %run_scoped3A_60 = tpu.sem_alloc : memref<!tpu.dma_semaphore, #tpu.memory_space<semaphore_mem>>
      %dma_start3A_61 = arith.constant 0 : i32
      %dma_start3A_62 = tpu.memref_slice %arg9[%mul3A_0, %dma_start3A_61] : memref<10240x128xf32, #tpu.memory_space<vmem_shared>> -> memref<640x128xf32, #tpu.memory_space<vmem_shared>>
      %dma_start3A_63 = arith.constant 0 : i32
      %dma_start3A_64 = tpu.memref_slice %arg2[%add3A_34, %dma_start3A_63] : memref<40960x128xf32, #tpu.memory_space<hbm>> -> memref<640x128xf32, #tpu.memory_space<hbm>>
      tpu.enqueue_dma source(%dma_start3A_64 : memref<640x128xf32, #tpu.memory_space<hbm>>) target(%dma_start3A_62 : memref<640x128xf32, #tpu.memory_space<vmem_shared>>) target_semaphore(%run_scoped3A_60 : memref<!tpu.dma_semaphore, #tpu.memory_space<semaphore_mem>>)
      %dma_wait3A = arith.constant 0 : i32
      %dma_wait3A_65 = tpu.memref_slice %arg9[%mul3A_0, %dma_wait3A] : memref<10240x128xf32, #tpu.memory_space<vmem_shared>> -> memref<640x128xf32, #tpu.memory_space<vmem_shared>>
      %dma_wait3A_66 = arith.constant 0 : i32
      %dma_wait3A_67 = tpu.memref_slice %arg2[%add3A_34, %dma_wait3A_66] : memref<40960x128xf32, #tpu.memory_space<hbm>> -> memref<640x128xf32, #tpu.memory_space<hbm>>
      tpu.wait_dma2 semaphore(%run_scoped3A_60 : memref<!tpu.dma_semaphore, #tpu.memory_space<semaphore_mem>>) src(%dma_wait3A_67 : memref<640x128xf32, #tpu.memory_space<hbm>>) dst(%dma_wait3A_65 : memref<640x128xf32, #tpu.memory_space<vmem_shared>>)
      tpu.yield
    }) : () -> ()
    %barrier3A_35 = arith.constant 0 : index
    tpu.barrier barrier_id(%barrier3A_35)
    %run_scoped3A_36 = arith.constant 0 : i32
    "tpu.region"() ({
      %run_scoped3A_60 = tpu.sem_alloc : memref<!tpu.dma_semaphore, #tpu.memory_space<semaphore_mem>>
      %dma_start3A_61 = arith.constant 0 : i32
      %dma_start3A_62 = arith.constant 0 : i32
      %dma_start3A_63 = tpu.memref_slice %arg3[%add3A_31, %arg1, %run_scoped3A_36, %dma_start3A_61, %dma_start3A_62] : memref<4x16x250x2x80xi32, #tpu.memory_space<hbm>> -> memref<1x1x1x2x80xi32, #tpu.memory_space<hbm>>
      %dma_start3A_64 = tpu.memref_squeeze %dma_start3A_63 : memref<1x1x1x2x80xi32, #tpu.memory_space<hbm>> -> memref<2x80xi32, #tpu.memory_space<hbm>>
      %dma_start3A_65 = arith.constant 0 : i32
      %dma_start3A_66 = arith.constant 0 : i32
      %dma_start3A_67 = tpu.memref_slice %arg3[%add3A_31, %arg1, %run_scoped3A_36, %dma_start3A_65, %dma_start3A_66] : memref<4x16x250x2x80xi32, #tpu.memory_space<hbm>> -> memref<1x1x1x2x80xi32, #tpu.memory_space<hbm>>
      %dma_start3A_68 = tpu.memref_squeeze %dma_start3A_67 : memref<1x1x1x2x80xi32, #tpu.memory_space<hbm>> -> memref<2x80xi32, #tpu.memory_space<hbm>>
      tpu.enqueue_dma source(%dma_start3A_68 : memref<2x80xi32, #tpu.memory_space<hbm>>) target(%arg5 : memref<2x80xi32, #tpu.memory_space<vmem>>) target_semaphore(%run_scoped3A_60 : memref<!tpu.dma_semaphore, #tpu.memory_space<semaphore_mem>>)
      %dma_wait3A = arith.constant 0 : i32
      %dma_wait3A_69 = arith.constant 0 : i32
      %dma_wait3A_70 = tpu.memref_slice %arg3[%add3A_31, %arg1, %run_scoped3A_36, %dma_wait3A, %dma_wait3A_69] : memref<4x16x250x2x80xi32, #tpu.memory_space<hbm>> -> memref<1x1x1x2x80xi32, #tpu.memory_space<hbm>>
      %dma_wait3A_71 = tpu.memref_squeeze %dma_wait3A_70 : memref<1x1x1x2x80xi32, #tpu.memory_space<hbm>> -> memref<2x80xi32, #tpu.memory_space<hbm>>
      %dma_wait3A_72 = arith.constant 0 : i32
      %dma_wait3A_73 = arith.constant 0 : i32
      %dma_wait3A_74 = tpu.memref_slice %arg3[%add3A_31, %arg1, %run_scoped3A_36, %dma_wait3A_72, %dma_wait3A_73] : memref<4x16x250x2x80xi32, #tpu.memory_space<hbm>> -> memref<1x1x1x2x80xi32, #tpu.memory_space<hbm>>
      %dma_wait3A_75 = tpu.memref_squeeze %dma_wait3A_74 : memref<1x1x1x2x80xi32, #tpu.memory_space<hbm>> -> memref<2x80xi32, #tpu.memory_space<hbm>>
      tpu.wait_dma2 semaphore(%run_scoped3A_60 : memref<!tpu.dma_semaphore, #tpu.memory_space<semaphore_mem>>) src(%dma_wait3A_75 : memref<2x80xi32, #tpu.memory_space<hbm>>) dst(%arg5 : memref<2x80xi32, #tpu.memory_space<vmem>>)
      tpu.yield
    }) : () -> ()
    %dma_start3A_37 = arith.constant 0 : i32
    %dma_start3A_38 = arith.constant 0 : i32
    %dma_start3A_39 = tpu.memref_slice %arg5[%dma_start3A_37, %dma_start3A_38] : memref<2x80xi32, #tpu.memory_space<vmem>> -> memref<1x80xi32, #tpu.memory_space<vmem>>
    %dma_start3A_40 = tpu.memref_squeeze %dma_start3A_39 : memref<1x80xi32, #tpu.memory_space<vmem>> -> memref<80xi32, #tpu.memory_space<vmem>>
    %dma_start3A_41 = arith.constant 0 : i32
    %dma_start3A_42 = arith.constant 0 : i32
    %dma_start3A_43 = tpu.memref_slice %arg2[%dma_start3A_41, %dma_start3A_42] : memref<40960x128xf32, #tpu.memory_space<hbm>> -> memref<40960x128xf32, #tpu.memory_space<hbm>>
    tpu.enqueue_indirect_dma source(%dma_start3A_43 : memref<40960x128xf32, #tpu.memory_space<hbm>>) target(%arg7 : memref<80x128xf32, #tpu.memory_space<vmem>>) offsets(%dma_start3A_40 : memref<80xi32, #tpu.memory_space<vmem>>) semaphore(%arg10 : memref<!tpu.dma_semaphore, #tpu.memory_space<semaphore_mem>>)
    %dma_start3A_44 = arith.constant 1 : i32
    %dma_start3A_45 = arith.constant 0 : i32
    %dma_start3A_46 = arith.constant 0 : i32
    %dma_start3A_47 = tpu.memref_slice %arg3[%add3A_31, %arg1, %dma_start3A_44, %dma_start3A_45, %dma_start3A_46] : memref<4x16x250x2x80xi32, #tpu.memory_space<hbm>> -> memref<1x1x1x2x80xi32, #tpu.memory_space<hbm>>
    %dma_start3A_48 = tpu.memref_squeeze %dma_start3A_47 : memref<1x1x1x2x80xi32, #tpu.memory_space<hbm>> -> memref<2x80xi32, #tpu.memory_space<hbm>>
    %dma_start3A_49 = arith.constant 0 : i32
    %dma_start3A_50 = arith.constant 0 : i32
    %dma_start3A_51 = tpu.memref_slice %arg3[%add3A_31, %arg1, %dma_start3A_44, %dma_start3A_49, %dma_start3A_50] : memref<4x16x250x2x80xi32, #tpu.memory_space<hbm>> -> memref<1x1x1x2x80xi32, #tpu.memory_space<hbm>>
    %dma_start3A_52 = tpu.memref_squeeze %dma_start3A_51 : memref<1x1x1x2x80xi32, #tpu.memory_space<hbm>> -> memref<2x80xi32, #tpu.memory_space<hbm>>
    tpu.enqueue_dma source(%dma_start3A_52 : memref<2x80xi32, #tpu.memory_space<hbm>>) target(%arg6 : memref<2x80xi32, #tpu.memory_space<vmem>>) target_semaphore(%arg13 : memref<!tpu.dma_semaphore, #tpu.memory_space<semaphore_mem>>)
    %scan3A_53 = arith.constant 0 : i32
    %scan3A_54 = arith.constant 0 : i32
    %scan3A_55 = arith.constant 125 : i32
    %scan3A_56 = arith.addi %scan3A_54, %scan3A_55 : i32
    %scan3A_57 = arith.constant 1 : i32
    scf.for %scan3A_60 = %scan3A_54 to %scan3A_56 step %scan3A_57  : i32 {
      %mul3A_61 = arith.constant 2 : i32
      %mul3A_62 = arith.muli %mul3A_61, %scan3A_60 : i32
      %add3A_63 = arith.constant 1 : i32
      %add3A_64 = arith.addi %mul3A_62, %add3A_63 : i32
      %dma_wait3A = arith.constant 0 : i32
      %dma_wait3A_65 = arith.constant 0 : i32
      %dma_wait3A_66 = tpu.memref_slice %arg3[%add3A_31, %arg1, %add3A_64, %dma_wait3A, %dma_wait3A_65] : memref<4x16x250x2x80xi32, #tpu.memory_space<hbm>> -> memref<1x1x1x2x80xi32, #tpu.memory_space<hbm>>
      %dma_wait3A_67 = tpu.memref_squeeze %dma_wait3A_66 : memref<1x1x1x2x80xi32, #tpu.memory_space<hbm>> -> memref<2x80xi32, #tpu.memory_space<hbm>>
      %dma_wait3A_68 = arith.constant 0 : i32
      %dma_wait3A_69 = arith.constant 0 : i32
      %dma_wait3A_70 = tpu.memref_slice %arg3[%add3A_31, %arg1, %add3A_64, %dma_wait3A_68, %dma_wait3A_69] : memref<4x16x250x2x80xi32, #tpu.memory_space<hbm>> -> memref<1x1x1x2x80xi32, #tpu.memory_space<hbm>>
      %dma_wait3A_71 = tpu.memref_squeeze %dma_wait3A_70 : memref<1x1x1x2x80xi32, #tpu.memory_space<hbm>> -> memref<2x80xi32, #tpu.memory_space<hbm>>
      tpu.wait_dma2 semaphore(%arg13 : memref<!tpu.dma_semaphore, #tpu.memory_space<semaphore_mem>>) src(%dma_wait3A_71 : memref<2x80xi32, #tpu.memory_space<hbm>>) dst(%arg6 : memref<2x80xi32, #tpu.memory_space<vmem>>)
      %dma_start3A_72 = arith.constant 0 : i32
      %dma_start3A_73 = arith.constant 0 : i32
      %dma_start3A_74 = tpu.memref_slice %arg6[%dma_start3A_72, %dma_start3A_73] : memref<2x80xi32, #tpu.memory_space<vmem>> -> memref<1x80xi32, #tpu.memory_space<vmem>>
      %dma_start3A_75 = tpu.memref_squeeze %dma_start3A_74 : memref<1x80xi32, #tpu.memory_space<vmem>> -> memref<80xi32, #tpu.memory_space<vmem>>
      %dma_start3A_76 = arith.constant 0 : i32
      %dma_start3A_77 = arith.constant 0 : i32
      %dma_start3A_78 = tpu.memref_slice %arg2[%dma_start3A_76, %dma_start3A_77] : memref<40960x128xf32, #tpu.memory_space<hbm>> -> memref<40960x128xf32, #tpu.memory_space<hbm>>
      tpu.enqueue_indirect_dma source(%dma_start3A_78 : memref<40960x128xf32, #tpu.memory_space<hbm>>) target(%arg8 : memref<80x128xf32, #tpu.memory_space<vmem>>) offsets(%dma_start3A_75 : memref<80xi32, #tpu.memory_space<vmem>>) semaphore(%arg11 : memref<!tpu.dma_semaphore, #tpu.memory_space<semaphore_mem>>)
      %dma_wait3A_79 = arith.constant 0 : i32
      %dma_wait3A_80 = arith.constant 0 : i32
      %dma_wait3A_81 = tpu.memref_slice %arg5[%dma_wait3A_79, %dma_wait3A_80] : memref<2x80xi32, #tpu.memory_space<vmem>> -> memref<1x80xi32, #tpu.memory_space<vmem>>
      %dma_wait3A_82 = tpu.memref_squeeze %dma_wait3A_81 : memref<1x80xi32, #tpu.memory_space<vmem>> -> memref<80xi32, #tpu.memory_space<vmem>>
      %dma_wait3A_83 = arith.constant 0 : i32
      %dma_wait3A_84 = arith.constant 0 : i32
      %dma_wait3A_85 = tpu.memref_slice %arg2[%dma_wait3A_83, %dma_wait3A_84] : memref<40960x128xf32, #tpu.memory_space<hbm>> -> memref<40960x128xf32, #tpu.memory_space<hbm>>
      tpu.wait_indirect_dma semaphore(%arg10 : memref<!tpu.dma_semaphore, #tpu.memory_space<semaphore_mem>>) src(%dma_wait3A_85 : memref<40960x128xf32, #tpu.memory_space<hbm>>) dst(%arg7 : memref<80x128xf32, #tpu.memory_space<vmem>>)
      %run_scoped3A_86 = arith.constant 1 : i32
      "tpu.region"() ({
        %run_scoped3A_102 = tpu.sem_alloc : memref<!tpu.dma_semaphore, #tpu.memory_space<semaphore_mem>>
        %dma_start3A_103 = arith.constant 0 : i32
        %dma_start3A_104 = tpu.memref_slice %arg5[%run_scoped3A_86, %dma_start3A_103] : memref<2x80xi32, #tpu.memory_space<vmem>> -> memref<1x80xi32, #tpu.memory_space<vmem>>
        %dma_start3A_105 = tpu.memref_squeeze %dma_start3A_104 : memref<1x80xi32, #tpu.memory_space<vmem>> -> memref<80xi32, #tpu.memory_space<vmem>>
        %dma_start3A_106 = arith.constant 0 : i32
        %dma_start3A_107 = arith.constant 0 : i32
        %dma_start3A_108 = tpu.memref_slice %arg9[%dma_start3A_106, %dma_start3A_107] : memref<10240x128xf32, #tpu.memory_space<vmem_shared>> -> memref<10240x128xf32, #tpu.memory_space<vmem_shared>>
        tpu.enqueue_indirect_dma source(%arg7 : memref<80x128xf32, #tpu.memory_space<vmem>>) target(%dma_start3A_108 : memref<10240x128xf32, #tpu.memory_space<vmem_shared>>) offsets(%dma_start3A_105 : memref<80xi32, #tpu.memory_space<vmem>>) semaphore(%run_scoped3A_102 : memref<!tpu.dma_semaphore, #tpu.memory_space<semaphore_mem>>) {add = true}
        %dma_wait3A_109 = arith.constant 0 : i32
        %dma_wait3A_110 = tpu.memref_slice %arg5[%run_scoped3A_86, %dma_wait3A_109] : memref<2x80xi32, #tpu.memory_space<vmem>> -> memref<1x80xi32, #tpu.memory_space<vmem>>
        %dma_wait3A_111 = tpu.memref_squeeze %dma_wait3A_110 : memref<1x80xi32, #tpu.memory_space<vmem>> -> memref<80xi32, #tpu.memory_space<vmem>>
        %dma_wait3A_112 = arith.constant 0 : i32
        %dma_wait3A_113 = arith.constant 0 : i32
        %dma_wait3A_114 = tpu.memref_slice %arg9[%dma_wait3A_112, %dma_wait3A_113] : memref<10240x128xf32, #tpu.memory_space<vmem_shared>> -> memref<10240x128xf32, #tpu.memory_space<vmem_shared>>
        tpu.wait_indirect_dma semaphore(%run_scoped3A_102 : memref<!tpu.dma_semaphore, #tpu.memory_space<semaphore_mem>>) src(%arg7 : memref<80x128xf32, #tpu.memory_space<vmem>>) dst(%dma_wait3A_114 : memref<10240x128xf32, #tpu.memory_space<vmem_shared>>)
        tpu.yield
      }) : () -> ()
      %lt3A = arith.constant 124 : i32
      %lt3A_87 = arith.cmpi slt, %scan3A_60, %lt3A : i32
      %convert_element_type3A = arith.extui %lt3A_87 : i1 to i32
      %cond3A = arith.constant 0 : i32
      %cond3A_88 = arith.cmpi ne, %convert_element_type3A, %cond3A : i32
      scf.if %cond3A_88 {
        %mul3A_102 = arith.constant 2 : i32
        %mul3A_103 = arith.muli %mul3A_102, %scan3A_60 : i32
        %add3A_104 = arith.constant 2 : i32
        %add3A_105 = arith.addi %mul3A_103, %add3A_104 : i32
        %dma_start3A_106 = arith.constant 0 : i32
        %dma_start3A_107 = arith.constant 0 : i32
        %dma_start3A_108 = tpu.memref_slice %arg3[%add3A_31, %arg1, %add3A_105, %dma_start3A_106, %dma_start3A_107] : memref<4x16x250x2x80xi32, #tpu.memory_space<hbm>> -> memref<1x1x1x2x80xi32, #tpu.memory_space<hbm>>
        %dma_start3A_109 = tpu.memref_squeeze %dma_start3A_108 : memref<1x1x1x2x80xi32, #tpu.memory_space<hbm>> -> memref<2x80xi32, #tpu.memory_space<hbm>>
        %dma_start3A_110 = arith.constant 0 : i32
        %dma_start3A_111 = arith.constant 0 : i32
        %dma_start3A_112 = tpu.memref_slice %arg3[%add3A_31, %arg1, %add3A_105, %dma_start3A_110, %dma_start3A_111] : memref<4x16x250x2x80xi32, #tpu.memory_space<hbm>> -> memref<1x1x1x2x80xi32, #tpu.memory_space<hbm>>
        %dma_start3A_113 = tpu.memref_squeeze %dma_start3A_112 : memref<1x1x1x2x80xi32, #tpu.memory_space<hbm>> -> memref<2x80xi32, #tpu.memory_space<hbm>>
        tpu.enqueue_dma source(%dma_start3A_113 : memref<2x80xi32, #tpu.memory_space<hbm>>) target(%arg5 : memref<2x80xi32, #tpu.memory_space<vmem>>) target_semaphore(%arg12 : memref<!tpu.dma_semaphore, #tpu.memory_space<semaphore_mem>>)
      } else {
      }
      %dma_wait3A_89 = arith.constant 0 : i32
      %dma_wait3A_90 = arith.constant 0 : i32
      %dma_wait3A_91 = tpu.memref_slice %arg6[%dma_wait3A_89, %dma_wait3A_90] : memref<2x80xi32, #tpu.memory_space<vmem>> -> memref<1x80xi32, #tpu.memory_space<vmem>>
      %dma_wait3A_92 = tpu.memref_squeeze %dma_wait3A_91 : memref<1x80xi32, #tpu.memory_space<vmem>> -> memref<80xi32, #tpu.memory_space<vmem>>
      %dma_wait3A_93 = arith.constant 0 : i32
      %dma_wait3A_94 = arith.constant 0 : i32
      %dma_wait3A_95 = tpu.memref_slice %arg2[%dma_wait3A_93, %dma_wait3A_94] : memref<40960x128xf32, #tpu.memory_space<hbm>> -> memref<40960x128xf32, #tpu.memory_space<hbm>>
      tpu.wait_indirect_dma semaphore(%arg11 : memref<!tpu.dma_semaphore, #tpu.memory_space<semaphore_mem>>) src(%dma_wait3A_95 : memref<40960x128xf32, #tpu.memory_space<hbm>>) dst(%arg8 : memref<80x128xf32, #tpu.memory_space<vmem>>)
      %run_scoped3A_96 = arith.constant 1 : i32
      "tpu.region"() ({
        %run_scoped3A_102 = tpu.sem_alloc : memref<!tpu.dma_semaphore, #tpu.memory_space<semaphore_mem>>
        %dma_start3A_103 = arith.constant 0 : i32
        %dma_start3A_104 = tpu.memref_slice %arg6[%run_scoped3A_96, %dma_start3A_103] : memref<2x80xi32, #tpu.memory_space<vmem>> -> memref<1x80xi32, #tpu.memory_space<vmem>>
        %dma_start3A_105 = tpu.memref_squeeze %dma_start3A_104 : memref<1x80xi32, #tpu.memory_space<vmem>> -> memref<80xi32, #tpu.memory_space<vmem>>
        %dma_start3A_106 = arith.constant 0 : i32
        %dma_start3A_107 = arith.constant 0 : i32
        %dma_start3A_108 = tpu.memref_slice %arg9[%dma_start3A_106, %dma_start3A_107] : memref<10240x128xf32, #tpu.memory_space<vmem_shared>> -> memref<10240x128xf32, #tpu.memory_space<vmem_shared>>
        tpu.enqueue_indirect_dma source(%arg8 : memref<80x128xf32, #tpu.memory_space<vmem>>) target(%dma_start3A_108 : memref<10240x128xf32, #tpu.memory_space<vmem_shared>>) offsets(%dma_start3A_105 : memref<80xi32, #tpu.memory_space<vmem>>) semaphore(%run_scoped3A_102 : memref<!tpu.dma_semaphore, #tpu.memory_space<semaphore_mem>>) {add = true}
        %dma_wait3A_109 = arith.constant 0 : i32
        %dma_wait3A_110 = tpu.memref_slice %arg6[%run_scoped3A_96, %dma_wait3A_109] : memref<2x80xi32, #tpu.memory_space<vmem>> -> memref<1x80xi32, #tpu.memory_space<vmem>>
        %dma_wait3A_111 = tpu.memref_squeeze %dma_wait3A_110 : memref<1x80xi32, #tpu.memory_space<vmem>> -> memref<80xi32, #tpu.memory_space<vmem>>
        %dma_wait3A_112 = arith.constant 0 : i32
        %dma_wait3A_113 = arith.constant 0 : i32
        %dma_wait3A_114 = tpu.memref_slice %arg9[%dma_wait3A_112, %dma_wait3A_113] : memref<10240x128xf32, #tpu.memory_space<vmem_shared>> -> memref<10240x128xf32, #tpu.memory_space<vmem_shared>>
        tpu.wait_indirect_dma semaphore(%run_scoped3A_102 : memref<!tpu.dma_semaphore, #tpu.memory_space<semaphore_mem>>) src(%arg8 : memref<80x128xf32, #tpu.memory_space<vmem>>) dst(%dma_wait3A_114 : memref<10240x128xf32, #tpu.memory_space<vmem_shared>>)
        tpu.yield
      }) : () -> ()
      %lt3A_97 = arith.constant 124 : i32
      %lt3A_98 = arith.cmpi slt, %scan3A_60, %lt3A_97 : i32
      %convert_element_type3A_99 = arith.extui %lt3A_98 : i1 to i32
      %cond3A_100 = arith.constant 0 : i32
      %cond3A_101 = arith.cmpi ne, %convert_element_type3A_99, %cond3A_100 : i32
      scf.if %cond3A_101 {
        %mul3A_102 = arith.constant 2 : i32
        %mul3A_103 = arith.muli %mul3A_102, %scan3A_60 : i32
        %add3A_104 = arith.constant 2 : i32
        %add3A_105 = arith.addi %mul3A_103, %add3A_104 : i32
        %dma_wait3A_106 = arith.constant 0 : i32
        %dma_wait3A_107 = arith.constant 0 : i32
        %dma_wait3A_108 = tpu.memref_slice %arg3[%add3A_31, %arg1, %add3A_105, %dma_wait3A_106, %dma_wait3A_107] : memref<4x16x250x2x80xi32, #tpu.memory_space<hbm>> -> memref<1x1x1x2x80xi32, #tpu.memory_space<hbm>>
        %dma_wait3A_109 = tpu.memref_squeeze %dma_wait3A_108 : memref<1x1x1x2x80xi32, #tpu.memory_space<hbm>> -> memref<2x80xi32, #tpu.memory_space<hbm>>
        %dma_wait3A_110 = arith.constant 0 : i32
        %dma_wait3A_111 = arith.constant 0 : i32
        %dma_wait3A_112 = tpu.memref_slice %arg3[%add3A_31, %arg1, %add3A_105, %dma_wait3A_110, %dma_wait3A_111] : memref<4x16x250x2x80xi32, #tpu.memory_space<hbm>> -> memref<1x1x1x2x80xi32, #tpu.memory_space<hbm>>
        %dma_wait3A_113 = tpu.memref_squeeze %dma_wait3A_112 : memref<1x1x1x2x80xi32, #tpu.memory_space<hbm>> -> memref<2x80xi32, #tpu.memory_space<hbm>>
        tpu.wait_dma2 semaphore(%arg12 : memref<!tpu.dma_semaphore, #tpu.memory_space<semaphore_mem>>) src(%dma_wait3A_113 : memref<2x80xi32, #tpu.memory_space<hbm>>) dst(%arg5 : memref<2x80xi32, #tpu.memory_space<vmem>>)
        %dma_start3A_114 = arith.constant 0 : i32
        %dma_start3A_115 = arith.constant 0 : i32
        %dma_start3A_116 = tpu.memref_slice %arg5[%dma_start3A_114, %dma_start3A_115] : memref<2x80xi32, #tpu.memory_space<vmem>> -> memref<1x80xi32, #tpu.memory_space<vmem>>
        %dma_start3A_117 = tpu.memref_squeeze %dma_start3A_116 : memref<1x80xi32, #tpu.memory_space<vmem>> -> memref<80xi32, #tpu.memory_space<vmem>>
        %dma_start3A_118 = arith.constant 0 : i32
        %dma_start3A_119 = arith.constant 0 : i32
        %dma_start3A_120 = tpu.memref_slice %arg2[%dma_start3A_118, %dma_start3A_119] : memref<40960x128xf32, #tpu.memory_space<hbm>> -> memref<40960x128xf32, #tpu.memory_space<hbm>>
        tpu.enqueue_indirect_dma source(%dma_start3A_120 : memref<40960x128xf32, #tpu.memory_space<hbm>>) target(%arg7 : memref<80x128xf32, #tpu.memory_space<vmem>>) offsets(%dma_start3A_117 : memref<80xi32, #tpu.memory_space<vmem>>) semaphore(%arg10 : memref<!tpu.dma_semaphore, #tpu.memory_space<semaphore_mem>>)
        %mul3A_121 = arith.constant 2 : i32
        %mul3A_122 = arith.muli %mul3A_121, %scan3A_60 : i32
        %add3A_123 = arith.constant 3 : i32
        %add3A_124 = arith.addi %mul3A_122, %add3A_123 : i32
        %dma_start3A_125 = arith.constant 0 : i32
        %dma_start3A_126 = arith.constant 0 : i32
        %dma_start3A_127 = tpu.memref_slice %arg3[%add3A_31, %arg1, %add3A_124, %dma_start3A_125, %dma_start3A_126] : memref<4x16x250x2x80xi32, #tpu.memory_space<hbm>> -> memref<1x1x1x2x80xi32, #tpu.memory_space<hbm>>
        %dma_start3A_128 = tpu.memref_squeeze %dma_start3A_127 : memref<1x1x1x2x80xi32, #tpu.memory_space<hbm>> -> memref<2x80xi32, #tpu.memory_space<hbm>>
        %dma_start3A_129 = arith.constant 0 : i32
        %dma_start3A_130 = arith.constant 0 : i32
        %dma_start3A_131 = tpu.memref_slice %arg3[%add3A_31, %arg1, %add3A_124, %dma_start3A_129, %dma_start3A_130] : memref<4x16x250x2x80xi32, #tpu.memory_space<hbm>> -> memref<1x1x1x2x80xi32, #tpu.memory_space<hbm>>
        %dma_start3A_132 = tpu.memref_squeeze %dma_start3A_131 : memref<1x1x1x2x80xi32, #tpu.memory_space<hbm>> -> memref<2x80xi32, #tpu.memory_space<hbm>>
        tpu.enqueue_dma source(%dma_start3A_132 : memref<2x80xi32, #tpu.memory_space<hbm>>) target(%arg6 : memref<2x80xi32, #tpu.memory_space<vmem>>) target_semaphore(%arg13 : memref<!tpu.dma_semaphore, #tpu.memory_space<semaphore_mem>>)
      } else {
      }
    }
    %scan3A_58 = arith.constant 125 : i32
    %barrier3A_59 = arith.constant 0 : index
    tpu.barrier barrier_id(%barrier3A_59)
    "tpu.region"() ({
      %run_scoped3A_60 = tpu.sem_alloc : memref<!tpu.dma_semaphore, #tpu.memory_space<semaphore_mem>>
      %dma_start3A_61 = arith.constant 0 : i32
      %dma_start3A_62 = tpu.memref_slice %arg4[%add3A_31, %mul3A_0, %dma_start3A_61] : memref<4x10240x128xf32, #tpu.memory_space<hbm>> -> memref<1x640x128xf32, #tpu.memory_space<hbm>>
      %dma_start3A_63 = tpu.memref_squeeze %dma_start3A_62 : memref<1x640x128xf32, #tpu.memory_space<hbm>> -> memref<640x128xf32, #tpu.memory_space<hbm>>
      %dma_start3A_64 = arith.constant 0 : i32
      %dma_start3A_65 = tpu.memref_slice %arg9[%mul3A_0, %dma_start3A_64] : memref<10240x128xf32, #tpu.memory_space<vmem_shared>> -> memref<640x128xf32, #tpu.memory_space<vmem_shared>>
      tpu.enqueue_dma source(%dma_start3A_65 : memref<640x128xf32, #tpu.memory_space<vmem_shared>>) target(%dma_start3A_63 : memref<640x128xf32, #tpu.memory_space<hbm>>) target_semaphore(%run_scoped3A_60 : memref<!tpu.dma_semaphore, #tpu.memory_space<semaphore_mem>>)
      %dma_wait3A = arith.constant 0 : i32
      %dma_wait3A_66 = tpu.memref_slice %arg4[%add3A_31, %mul3A_0, %dma_wait3A] : memref<4x10240x128xf32, #tpu.memory_space<hbm>> -> memref<1x640x128xf32, #tpu.memory_space<hbm>>
      %dma_wait3A_67 = tpu.memref_squeeze %dma_wait3A_66 : memref<1x640x128xf32, #tpu.memory_space<hbm>> -> memref<640x128xf32, #tpu.memory_space<hbm>>
      %dma_wait3A_68 = arith.constant 0 : i32
      %dma_wait3A_69 = tpu.memref_slice %arg9[%mul3A_0, %dma_wait3A_68] : memref<10240x128xf32, #tpu.memory_space<vmem_shared>> -> memref<640x128xf32, #tpu.memory_space<vmem_shared>>
      tpu.wait_dma2 semaphore(%run_scoped3A_60 : memref<!tpu.dma_semaphore, #tpu.memory_space<semaphore_mem>>) src(%dma_wait3A_69 : memref<640x128xf32, #tpu.memory_space<vmem_shared>>) dst(%dma_wait3A_67 : memref<640x128xf32, #tpu.memory_space<hbm>>)
      tpu.yield
    }) : () -> ()
    return
  }
}

#map = affine_map<(d0, d1) -> (0, 0, 0)>
#map1 = affine_map<(d0, d1) -> (0, 0)>
module attributes {stable_mosaic.version = 14 : i64} {
  func.func @_deg_kernel_body(%arg0: i32, %arg1: i32, %arg2: memref<32x125x80xi32, #tpu.memory_space<hbm>>, %arg3: memref<80x16xf32, #tpu.memory_space<hbm>>, %arg4: memref<10240x16xf32, #tpu.memory_space<hbm>>, %arg5: memref<2x10240x16xf32, #tpu.memory_space<hbm>>, %arg6: memref<125x80xi32, #tpu.memory_space<vmem>>, %arg7: memref<80x16xf32, #tpu.memory_space<vmem>>, %arg8: memref<10240x16xf32, #tpu.memory_space<vmem_shared>>) attributes {dimension_semantics = [#tpu.dimension_semantics<core_parallel>, #tpu.dimension_semantics<subcore_parallel>], iteration_bounds = array<i64: 2, 16>, scalar_prefetch = 0 : i64, scratch_operands = 3 : i64, tpu.core_type = #tpu.core_type<sc_vector_subcore>, window_params = [{transform_indices = #map}, {transform_indices = #map1}, {transform_indices = #map1}, {transform_indices = #map}]} {
    %mul3A = arith.constant 16 : i32
    %mul3A_0 = arith.muli %arg0, %mul3A : i32
    %add3A = arith.addi %mul3A_0, %arg1 : i32
    %mul3A_1 = arith.constant 640 : i32
    %mul3A_2 = arith.muli %arg1, %mul3A_1 : i32
    "tpu.region"() ({
      %run_scoped3A = tpu.sem_alloc : memref<!tpu.dma_semaphore, #tpu.memory_space<semaphore_mem>>
      %dma_start3A = arith.constant 0 : i32
      %dma_start3A_9 = tpu.memref_slice %arg8[%mul3A_2, %dma_start3A] : memref<10240x16xf32, #tpu.memory_space<vmem_shared>> -> memref<640x16xf32, #tpu.memory_space<vmem_shared>>
      %dma_start3A_10 = arith.constant 0 : i32
      %dma_start3A_11 = tpu.memref_slice %arg4[%mul3A_2, %dma_start3A_10] : memref<10240x16xf32, #tpu.memory_space<hbm>> -> memref<640x16xf32, #tpu.memory_space<hbm>>
      tpu.enqueue_dma source(%dma_start3A_11 : memref<640x16xf32, #tpu.memory_space<hbm>>) target(%dma_start3A_9 : memref<640x16xf32, #tpu.memory_space<vmem_shared>>) target_semaphore(%run_scoped3A : memref<!tpu.dma_semaphore, #tpu.memory_space<semaphore_mem>>)
      %dma_wait3A = arith.constant 0 : i32
      %dma_wait3A_12 = tpu.memref_slice %arg8[%mul3A_2, %dma_wait3A] : memref<10240x16xf32, #tpu.memory_space<vmem_shared>> -> memref<640x16xf32, #tpu.memory_space<vmem_shared>>
      %dma_wait3A_13 = arith.constant 0 : i32
      %dma_wait3A_14 = tpu.memref_slice %arg4[%mul3A_2, %dma_wait3A_13] : memref<10240x16xf32, #tpu.memory_space<hbm>> -> memref<640x16xf32, #tpu.memory_space<hbm>>
      tpu.wait_dma2 semaphore(%run_scoped3A : memref<!tpu.dma_semaphore, #tpu.memory_space<semaphore_mem>>) src(%dma_wait3A_14 : memref<640x16xf32, #tpu.memory_space<hbm>>) dst(%dma_wait3A_12 : memref<640x16xf32, #tpu.memory_space<vmem_shared>>)
      tpu.yield
    }) : () -> ()
    "tpu.region"() ({
      %run_scoped3A = tpu.sem_alloc : memref<!tpu.dma_semaphore, #tpu.memory_space<semaphore_mem>>
      tpu.enqueue_dma source(%arg3 : memref<80x16xf32, #tpu.memory_space<hbm>>) target(%arg7 : memref<80x16xf32, #tpu.memory_space<vmem>>) target_semaphore(%run_scoped3A : memref<!tpu.dma_semaphore, #tpu.memory_space<semaphore_mem>>)
      tpu.wait_dma2 semaphore(%run_scoped3A : memref<!tpu.dma_semaphore, #tpu.memory_space<semaphore_mem>>) src(%arg3 : memref<80x16xf32, #tpu.memory_space<hbm>>) dst(%arg7 : memref<80x16xf32, #tpu.memory_space<vmem>>)
      tpu.yield
    }) : () -> ()
    "tpu.region"() ({
      %run_scoped3A = tpu.sem_alloc : memref<!tpu.dma_semaphore, #tpu.memory_space<semaphore_mem>>
      %dma_start3A = arith.constant 0 : i32
      %dma_start3A_9 = arith.constant 0 : i32
      %dma_start3A_10 = tpu.memref_slice %arg2[%add3A, %dma_start3A, %dma_start3A_9] : memref<32x125x80xi32, #tpu.memory_space<hbm>> -> memref<1x125x80xi32, #tpu.memory_space<hbm>>
      %dma_start3A_11 = tpu.memref_squeeze %dma_start3A_10 : memref<1x125x80xi32, #tpu.memory_space<hbm>> -> memref<125x80xi32, #tpu.memory_space<hbm>>
      %dma_start3A_12 = arith.constant 0 : i32
      %dma_start3A_13 = arith.constant 0 : i32
      %dma_start3A_14 = tpu.memref_slice %arg2[%add3A, %dma_start3A_12, %dma_start3A_13] : memref<32x125x80xi32, #tpu.memory_space<hbm>> -> memref<1x125x80xi32, #tpu.memory_space<hbm>>
      %dma_start3A_15 = tpu.memref_squeeze %dma_start3A_14 : memref<1x125x80xi32, #tpu.memory_space<hbm>> -> memref<125x80xi32, #tpu.memory_space<hbm>>
      tpu.enqueue_dma source(%dma_start3A_15 : memref<125x80xi32, #tpu.memory_space<hbm>>) target(%arg6 : memref<125x80xi32, #tpu.memory_space<vmem>>) target_semaphore(%run_scoped3A : memref<!tpu.dma_semaphore, #tpu.memory_space<semaphore_mem>>)
      %dma_wait3A = arith.constant 0 : i32
      %dma_wait3A_16 = arith.constant 0 : i32
      %dma_wait3A_17 = tpu.memref_slice %arg2[%add3A, %dma_wait3A, %dma_wait3A_16] : memref<32x125x80xi32, #tpu.memory_space<hbm>> -> memref<1x125x80xi32, #tpu.memory_space<hbm>>
      %dma_wait3A_18 = tpu.memref_squeeze %dma_wait3A_17 : memref<1x125x80xi32, #tpu.memory_space<hbm>> -> memref<125x80xi32, #tpu.memory_space<hbm>>
      %dma_wait3A_19 = arith.constant 0 : i32
      %dma_wait3A_20 = arith.constant 0 : i32
      %dma_wait3A_21 = tpu.memref_slice %arg2[%add3A, %dma_wait3A_19, %dma_wait3A_20] : memref<32x125x80xi32, #tpu.memory_space<hbm>> -> memref<1x125x80xi32, #tpu.memory_space<hbm>>
      %dma_wait3A_22 = tpu.memref_squeeze %dma_wait3A_21 : memref<1x125x80xi32, #tpu.memory_space<hbm>> -> memref<125x80xi32, #tpu.memory_space<hbm>>
      tpu.wait_dma2 semaphore(%run_scoped3A : memref<!tpu.dma_semaphore, #tpu.memory_space<semaphore_mem>>) src(%dma_wait3A_22 : memref<125x80xi32, #tpu.memory_space<hbm>>) dst(%arg6 : memref<125x80xi32, #tpu.memory_space<vmem>>)
      tpu.yield
    }) : () -> ()
    %barrier3A = arith.constant 0 : index
    tpu.barrier barrier_id(%barrier3A)
    %scan3A = arith.constant 0 : i32
    %scan3A_3 = arith.constant 0 : i32
    %scan3A_4 = arith.constant 125 : i32
    %scan3A_5 = arith.addi %scan3A_3, %scan3A_4 : i32
    %scan3A_6 = arith.constant 1 : i32
    scf.for %scan3A_9 = %scan3A_3 to %scan3A_5 step %scan3A_6  : i32 {
      "tpu.region"() ({
        %run_scoped3A = tpu.sem_alloc : memref<!tpu.dma_semaphore, #tpu.memory_space<semaphore_mem>>
        %dma_start3A = arith.constant 0 : i32
        %dma_start3A_10 = tpu.memref_slice %arg6[%scan3A_9, %dma_start3A] : memref<125x80xi32, #tpu.memory_space<vmem>> -> memref<1x80xi32, #tpu.memory_space<vmem>>
        %dma_start3A_11 = tpu.memref_squeeze %dma_start3A_10 : memref<1x80xi32, #tpu.memory_space<vmem>> -> memref<80xi32, #tpu.memory_space<vmem>>
        %dma_start3A_12 = arith.constant 0 : i32
        %dma_start3A_13 = arith.constant 0 : i32
        %dma_start3A_14 = tpu.memref_slice %arg8[%dma_start3A_12, %dma_start3A_13] : memref<10240x16xf32, #tpu.memory_space<vmem_shared>> -> memref<10240x16xf32, #tpu.memory_space<vmem_shared>>
        tpu.enqueue_indirect_dma source(%arg7 : memref<80x16xf32, #tpu.memory_space<vmem>>) target(%dma_start3A_14 : memref<10240x16xf32, #tpu.memory_space<vmem_shared>>) offsets(%dma_start3A_11 : memref<80xi32, #tpu.memory_space<vmem>>) semaphore(%run_scoped3A : memref<!tpu.dma_semaphore, #tpu.memory_space<semaphore_mem>>) {add = true}
        %dma_wait3A = arith.constant 0 : i32
        %dma_wait3A_15 = tpu.memref_slice %arg6[%scan3A_9, %dma_wait3A] : memref<125x80xi32, #tpu.memory_space<vmem>> -> memref<1x80xi32, #tpu.memory_space<vmem>>
        %dma_wait3A_16 = tpu.memref_squeeze %dma_wait3A_15 : memref<1x80xi32, #tpu.memory_space<vmem>> -> memref<80xi32, #tpu.memory_space<vmem>>
        %dma_wait3A_17 = arith.constant 0 : i32
        %dma_wait3A_18 = arith.constant 0 : i32
        %dma_wait3A_19 = tpu.memref_slice %arg8[%dma_wait3A_17, %dma_wait3A_18] : memref<10240x16xf32, #tpu.memory_space<vmem_shared>> -> memref<10240x16xf32, #tpu.memory_space<vmem_shared>>
        tpu.wait_indirect_dma semaphore(%run_scoped3A : memref<!tpu.dma_semaphore, #tpu.memory_space<semaphore_mem>>) src(%arg7 : memref<80x16xf32, #tpu.memory_space<vmem>>) dst(%dma_wait3A_19 : memref<10240x16xf32, #tpu.memory_space<vmem_shared>>)
        tpu.yield
      }) : () -> ()
    }
    %scan3A_7 = arith.constant 125 : i32
    %barrier3A_8 = arith.constant 0 : index
    tpu.barrier barrier_id(%barrier3A_8)
    "tpu.region"() ({
      %run_scoped3A = tpu.sem_alloc : memref<!tpu.dma_semaphore, #tpu.memory_space<semaphore_mem>>
      %dma_start3A = arith.constant 0 : i32
      %dma_start3A_9 = tpu.memref_slice %arg5[%arg0, %mul3A_2, %dma_start3A] : memref<2x10240x16xf32, #tpu.memory_space<hbm>> -> memref<1x640x16xf32, #tpu.memory_space<hbm>>
      %dma_start3A_10 = tpu.memref_squeeze %dma_start3A_9 : memref<1x640x16xf32, #tpu.memory_space<hbm>> -> memref<640x16xf32, #tpu.memory_space<hbm>>
      %dma_start3A_11 = arith.constant 0 : i32
      %dma_start3A_12 = tpu.memref_slice %arg8[%mul3A_2, %dma_start3A_11] : memref<10240x16xf32, #tpu.memory_space<vmem_shared>> -> memref<640x16xf32, #tpu.memory_space<vmem_shared>>
      tpu.enqueue_dma source(%dma_start3A_12 : memref<640x16xf32, #tpu.memory_space<vmem_shared>>) target(%dma_start3A_10 : memref<640x16xf32, #tpu.memory_space<hbm>>) target_semaphore(%run_scoped3A : memref<!tpu.dma_semaphore, #tpu.memory_space<semaphore_mem>>)
      %dma_wait3A = arith.constant 0 : i32
      %dma_wait3A_13 = tpu.memref_slice %arg5[%arg0, %mul3A_2, %dma_wait3A] : memref<2x10240x16xf32, #tpu.memory_space<hbm>> -> memref<1x640x16xf32, #tpu.memory_space<hbm>>
      %dma_wait3A_14 = tpu.memref_squeeze %dma_wait3A_13 : memref<1x640x16xf32, #tpu.memory_space<hbm>> -> memref<640x16xf32, #tpu.memory_space<hbm>>
      %dma_wait3A_15 = arith.constant 0 : i32
      %dma_wait3A_16 = tpu.memref_slice %arg8[%mul3A_2, %dma_wait3A_15] : memref<10240x16xf32, #tpu.memory_space<vmem_shared>> -> memref<640x16xf32, #tpu.memory_space<vmem_shared>>
      tpu.wait_dma2 semaphore(%run_scoped3A : memref<!tpu.dma_semaphore, #tpu.memory_space<semaphore_mem>>) src(%dma_wait3A_16 : memref<640x16xf32, #tpu.memory_space<vmem_shared>>) dst(%dma_wait3A_14 : memref<640x16xf32, #tpu.memory_space<hbm>>)
      tpu.yield
    }) : () -> ()
    return
  }
}

module attributes {stable_mosaic.version = 14 : i64} {
  func.func @_tc1_body(%arg0: i32, %arg1: i32, %arg2: memref<1x640x128xf32, #tpu.memory_space<vmem>>, %arg3: memref<1x128x128xf32, #tpu.memory_space<vmem>>, %arg4: memref<2x640x16xf32, #tpu.memory_space<vmem>>, %arg5: memref<1x640x128xf32, #tpu.memory_space<vmem>>) attributes {dimension_semantics = [#tpu.dimension_semantics<arbitrary>, #tpu.dimension_semantics<arbitrary>], iteration_bounds = array<i64: 4, 16>, scalar_prefetch = 0 : i64, scratch_operands = 0 : i64, tpu.core_type = #tpu.core_type<tc>, window_params = [{transform_indices = @transform_0, window_bounds = array<i64: 1, 640, 128>}, {transform_indices = @transform_1, window_bounds = array<i64: 1, 128, 128>}, {transform_indices = @transform_2, window_bounds = array<i64: 2, 640, 16>}, {transform_indices = @transform_3, window_bounds = array<i64: 1, 640, 128>}]} {
    %get3A = arith.constant 0 : index
    %get3A_0 = arith.constant 0 : index
    %get3A_1 = arith.constant 0 : index
    %get3A_2 = vector.load %arg2[%get3A, %get3A_0, %get3A_1] : memref<1x640x128xf32, #tpu.memory_space<vmem>>, vector<1x640x128xf32>
    %get3A_3 = vector.shape_cast %get3A_2 : vector<1x640x128xf32> to vector<640x128xf32>
    %get3A_4 = arith.constant 0 : index
    %get3A_5 = arith.constant 0 : index
    %get3A_6 = arith.constant 0 : index
    %get3A_7 = vector.load %arg3[%get3A_4, %get3A_5, %get3A_6] : memref<1x128x128xf32, #tpu.memory_space<vmem>>, vector<1x128x128xf32>
    %get3A_8 = vector.shape_cast %get3A_7 : vector<1x128x128xf32> to vector<128x128xf32>
    %get3A_9 = arith.constant 0 : index
    %get3A_10 = arith.constant 0 : index
    %get3A_11 = arith.constant 0 : index
    %get3A_12 = vector.load %arg4[%get3A_9, %get3A_10, %get3A_11] : memref<2x640x16xf32, #tpu.memory_space<vmem>>, vector<2x640x16xf32>
    %slice3A = vector.extract_strided_slice %get3A_12 {offsets = [0, 0, 0], sizes = [1, 640, 1], strides = [1, 1, 1]} : vector<2x640x16xf32> to vector<1x640x1xf32>
    %squeeze3A = vector.shape_cast %slice3A : vector<1x640x1xf32> to vector<640x1xf32>
    %slice3A_13 = vector.extract_strided_slice %get3A_12 {offsets = [1, 0, 0], sizes = [1, 640, 1], strides = [1, 1, 1]} : vector<2x640x16xf32> to vector<1x640x1xf32>
    %squeeze3A_14 = vector.shape_cast %slice3A_13 : vector<1x640x1xf32> to vector<640x1xf32>
    %add3A = arith.addf %squeeze3A, %squeeze3A_14 : vector<640x1xf32>
    %add3A_15 = arith.constant 1.000000e+00 : f32
    %add3A_16 = vector.broadcast %add3A_15 : f32 to vector<640x1xf32>
    %add3A_17 = arith.addf %add3A, %add3A_16 : vector<640x1xf32>
    %rsqrt3A = math.rsqrt %add3A_17 : vector<640x1xf32>
    %dot_general3A = arith.constant dense<0.000000e+00> : vector<640x128xf32>
    %dot_general3A_18 = tpu.matmul %get3A_3, %get3A_8, %dot_general3A {dimension_numbers = #tpu.dot_dimension_numbers<[1], [1], [0], [0], [0, 0, 1, 0], [], []>, transpose_lhs_hint = false} : vector<640x128xf32>, vector<128x128xf32>, vector<640x128xf32> -> vector<640x128xf32>
    %mul3A = vector.broadcast %rsqrt3A : vector<640x1xf32> to vector<640x128xf32>
    %mul3A_19 = arith.mulf %dot_general3A_18, %mul3A : vector<640x128xf32>
    %swap3A = arith.constant 0 : index
    %swap3A_20 = arith.constant 0 : index
    %swap3A_21 = arith.constant 0 : index
    %swap3A_22 = vector.load %arg5[%swap3A, %swap3A_20, %swap3A_21] : memref<1x640x128xf32, #tpu.memory_space<vmem>>, vector<1x640x128xf32>
    %swap3A_23 = vector.shape_cast %swap3A_22 : vector<1x640x128xf32> to vector<640x128xf32>
    %swap3A_24 = vector.shape_cast %mul3A_19 : vector<640x128xf32> to vector<1x640x128xf32>
    tpu.vector_store %arg5[%swap3A, %swap3A_20, %swap3A_21], %swap3A_24 {strides = array<i32>} : memref<1x640x128xf32, #tpu.memory_space<vmem>>, vector<1x640x128xf32>,
    return
  }
  func.func @transform_0(%arg0: i32, %arg1: i32) -> (i32, i32, i32) {
    %c0_i32 = arith.constant 0 : i32
    %c0_i32_0 = arith.constant 0 : i32
    return %arg0, %arg1, %c0_i32 : i32, i32, i32
  }
  func.func @transform_1(%arg0: i32, %arg1: i32) -> (i32, i32, i32) {
    %c0_i32 = arith.constant 0 : i32
    %c0_i32_0 = arith.constant 0 : i32
    %c0_i32_1 = arith.constant 0 : i32
    return %arg0, %c0_i32, %c0_i32_0 : i32, i32, i32
  }
  func.func @transform_2(%arg0: i32, %arg1: i32) -> (i32, i32, i32) {
    %c0_i32 = arith.constant 0 : i32
    %c0_i32_0 = arith.constant 0 : i32
    %c0_i32_1 = arith.constant 0 : i32
    return %c0_i32, %arg1, %c0_i32_0 : i32, i32, i32
  }
  func.func @transform_3(%arg0: i32, %arg1: i32) -> (i32, i32, i32) {
    %c0_i32 = arith.constant 0 : i32
    %c0_i32_0 = arith.constant 0 : i32
    return %arg0, %arg1, %c0_i32 : i32, i32, i32
  }
}

module attributes {stable_mosaic.version = 14 : i64} {
  func.func @_tc2_body(%arg0: i32, %arg1: i32, %arg2: memref<1x640x128xf32, #tpu.memory_space<vmem>>, %arg3: memref<2x640x16xf32, #tpu.memory_space<vmem>>, %arg4: memref<1x1x128xf32, #tpu.memory_space<vmem>>, %arg5: memref<1x640x128xf32, #tpu.memory_space<vmem>>) attributes {dimension_semantics = [#tpu.dimension_semantics<arbitrary>, #tpu.dimension_semantics<arbitrary>], iteration_bounds = array<i64: 4, 16>, scalar_prefetch = 0 : i64, scratch_operands = 0 : i64, tpu.core_type = #tpu.core_type<tc>, window_params = [{transform_indices = @transform_0, window_bounds = array<i64: 1, 640, 128>}, {transform_indices = @transform_1, window_bounds = array<i64: 2, 640, 16>}, {transform_indices = @transform_2, window_bounds = array<i64: 1, 1, 128>}, {transform_indices = @transform_3, window_bounds = array<i64: 1, 640, 128>}]} {
    %get3A = arith.constant 0 : index
    %get3A_0 = arith.constant 0 : index
    %get3A_1 = arith.constant 0 : index
    %get3A_2 = vector.load %arg3[%get3A, %get3A_0, %get3A_1] : memref<2x640x16xf32, #tpu.memory_space<vmem>>, vector<2x640x16xf32>
    %slice3A = vector.extract_strided_slice %get3A_2 {offsets = [0, 0, 0], sizes = [1, 640, 1], strides = [1, 1, 1]} : vector<2x640x16xf32> to vector<1x640x1xf32>
    %squeeze3A = vector.shape_cast %slice3A : vector<1x640x1xf32> to vector<640x1xf32>
    %slice3A_3 = vector.extract_strided_slice %get3A_2 {offsets = [1, 0, 0], sizes = [1, 640, 1], strides = [1, 1, 1]} : vector<2x640x16xf32> to vector<1x640x1xf32>
    %squeeze3A_4 = vector.shape_cast %slice3A_3 : vector<1x640x1xf32> to vector<640x1xf32>
    %add3A = arith.addf %squeeze3A, %squeeze3A_4 : vector<640x1xf32>
    %add3A_5 = arith.constant 1.000000e+00 : f32
    %add3A_6 = vector.broadcast %add3A_5 : f32 to vector<640x1xf32>
    %add3A_7 = arith.addf %add3A, %add3A_6 : vector<640x1xf32>
    %rsqrt3A = math.rsqrt %add3A_7 : vector<640x1xf32>
    %get3A_8 = arith.constant 0 : index
    %get3A_9 = arith.constant 0 : index
    %get3A_10 = arith.constant 0 : index
    %get3A_11 = vector.load %arg2[%get3A_8, %get3A_9, %get3A_10] : memref<1x640x128xf32, #tpu.memory_space<vmem>>, vector<1x640x128xf32>
    %get3A_12 = vector.shape_cast %get3A_11 : vector<1x640x128xf32> to vector<640x128xf32>
    %mul3A = vector.broadcast %rsqrt3A : vector<640x1xf32> to vector<640x128xf32>
    %mul3A_13 = arith.mulf %get3A_12, %mul3A : vector<640x128xf32>
    %get3A_14 = arith.constant 0 : index
    %get3A_15 = arith.constant 0 : index
    %get3A_16 = arith.constant 0 : index
    %get3A_17 = vector.load %arg4[%get3A_14, %get3A_15, %get3A_16] : memref<1x1x128xf32, #tpu.memory_space<vmem>>, vector<1x1x128xf32>
    %get3A_18 = vector.shape_cast %get3A_17 : vector<1x1x128xf32> to vector<1x128xf32>
    %add3A_19 = vector.broadcast %get3A_18 : vector<1x128xf32> to vector<640x128xf32>
    %add3A_20 = arith.addf %mul3A_13, %add3A_19 : vector<640x128xf32>
    %swap3A = arith.constant 0 : index
    %swap3A_21 = arith.constant 0 : index
    %swap3A_22 = arith.constant 0 : index
    %swap3A_23 = vector.load %arg5[%swap3A, %swap3A_21, %swap3A_22] : memref<1x640x128xf32, #tpu.memory_space<vmem>>, vector<1x640x128xf32>
    %swap3A_24 = vector.shape_cast %swap3A_23 : vector<1x640x128xf32> to vector<640x128xf32>
    %swap3A_25 = vector.shape_cast %add3A_20 : vector<640x128xf32> to vector<1x640x128xf32>
    tpu.vector_store %arg5[%swap3A, %swap3A_21, %swap3A_22], %swap3A_25 {strides = array<i32>} : memref<1x640x128xf32, #tpu.memory_space<vmem>>, vector<1x640x128xf32>,
    return
  }
  func.func @transform_0(%arg0: i32, %arg1: i32) -> (i32, i32, i32) {
    %c0_i32 = arith.constant 0 : i32
    %c0_i32_0 = arith.constant 0 : i32
    return %arg0, %arg1, %c0_i32 : i32, i32, i32
  }
  func.func @transform_1(%arg0: i32, %arg1: i32) -> (i32, i32, i32) {
    %c0_i32 = arith.constant 0 : i32
    %c0_i32_0 = arith.constant 0 : i32
    %c0_i32_1 = arith.constant 0 : i32
    return %c0_i32, %arg1, %c0_i32_0 : i32, i32, i32
  }
  func.func @transform_2(%arg0: i32, %arg1: i32) -> (i32, i32, i32) {
    %c0_i32 = arith.constant 0 : i32
    %c0_i32_0 = arith.constant 0 : i32
    %c0_i32_1 = arith.constant 0 : i32
    return %arg0, %c0_i32, %c0_i32_0 : i32, i32, i32
  }
  func.func @transform_3(%arg0: i32, %arg1: i32) -> (i32, i32, i32) {
    %c0_i32 = arith.constant 0 : i32
    %c0_i32_0 = arith.constant 0 : i32
    return %arg0, %arg1, %c0_i32 : i32, i32, i32
  }
}

</mosaic_0001>

<sc_bundles>
// kernel: kernel.6.cloned.1.call-start
scs
__scs_entry_jumppad:
0x0: {  	(pc) =	sbr.rel $0x88, $3  }
0x1: {  	(tag) =	ssettag $0x0;
	lr =	simm.s32 $0x1  }
0x2: {  	[smem:$0x3F96] =	sst lr;
	_ =	strace $0xD0000000  }
0x3: {  	_ = 	snop  }
0x4: {  	_ = 	snop  }
0x5: {  	_ = 	snop  }
0x6: {  	_ = 	snop  }
0x7: {  	_ = 	snop  }
__scs_overlays_trampoline_lowered:
0x8: {  	[smem:$0x3FA5] =	sst s0  }
0x9: {  	[smem:$0x3FA6] =	sst s1  }
0xa: {  	[smem:$0x3FA7] =	sst s2  }
0xb: {  	[smem:$0x3FA8] =	sst s3  }
0xc: {  	[smem:$0x3FA9] =	sst s4  }
0xd: {  	[smem:$0x3FAA] =	sst s5  }
0xe: {  	[smem:$0x3FAB] =	sst s6  }
0xf: {  	[smem:$0x3FAC] =	sst s7  }
0x10: {  	[smem:$0x3FAD] =	sst s8  }
0x11: {  	[smem:$0x3FAE] =	sst s9;
	s0 =	simm.s32 @!p0 $0x0  }
0x12: {  	s1 =	sld [smem:$0x3F94];
	s0 =	simm.s32 @p0 $0x1  }
0x13: {  	[smem:$0x3FAF] =	sst s0;
	s0 =	simm.s32 @!p1 $0x0  }
0x14: {  	s2 =	sld [smem:$0x3F93];
	s0 =	simm.s32 @p1 $0x1  }
0x15: {  	[smem:$0x3FB0] =	sst s0;
	s0 =	simm.s32 @!p2 $0x0  }
0x16: {  	s3 =	sld [smem:$0x3FDB];
	s0 =	simm.s32 @p2 $0x1  }
0x17: {  	s4 =	simm.s32 $0x1BF5;
	[smem:$0x3FB2] =	sst s0  }
0x18: {  	s0 =	sld [smem:$0x3F95];
	_ =	swait.ge [sflag:s4], $0x0  }
0x19: {  	s7 =	sld [smem:$0x3F96]  }
0x1a: {  	s8 =	sadd.s32 $0xFFFFE003, lr  }
0x1b: {  	s9 =	sadd.s32 $0xFFFFFEF7, lr;
	s5 =	simm.s32 $0xFFFFFFFF;
	p2 =	slt.u32 s8, $0xFFFFF086  }
0x1c: {  	p1 =	slt.u32 s9, $0xF7A;
	s5 =	simm.s32 @!p2 $0x0  }
0x1d: {  	s5 =	simm.s32 @p1 $0x1;
	p0 =	seq.s32 s7, s2  }
0x1e: {  	s7 =	smul.u32 @!p0 $0xF7A, s2;
	p2 =	seq.s32 @!p0 s5, $0x0  }
0x1f: {  	s9 =	smul.u32 $0xF7A, s1;
	s8 =	simm.s32 @!p0 $0x1BF5;
	p2 =	por !p2, p0  }
0x20: {  	[sflag:s8] =	ssyncset.s32 @!p0 $0xFFFFF086;
	s6 =	sadd.s32 @!p0 s3, s7;
	s7 =	simm.s32 @!p0 $0x108  }
0x21: {  	s3 =	sadd.s32 s3, s9;
	s6 =	sadd.s32 @!p0 $0x88, s6;
	s7 =	simm.s32 @p2 $0x1082  }
0x22: {  	[simem:s7], [sflag:s8] =	dma.local @!p0 [hbm:s6], $0xF7A  }
0x23: {  	s9 =	sor.u32 $0xD0000000, s2;
	s6 =	simm.s32 $0x108;
	_ =	swait.ge @!p0 [sflag:s8], $0x0  }
0x24: {  	s3 =	sadd.s32 $0x88, s3;
	s6 =	simm.s32 @!p1 $0x1082;
	[sflag:s4] =	ssyncset.s32 $0xFFFFF086  }
0x25: {  	[simem:s6], [sflag:s4] =	dma.local [hbm:s3], $0xF7A  }
0x26: {  	[smem:$0x3F96] =	sst s1;
	(tag) =	ssettag s2;
	_ =	strace s9  }
0x27: {  	s1 =	sld [smem:$0x3FA6]  }
0x28: {  	s2 =	sld [smem:$0x3FA7]  }
0x29: {  	s4 =	sld [smem:$0x3FA9]  }
0x2a: {  	p0 =	seq.s32 s5, $0x0;
	s5 =	sld [smem:$0x3FAA]  }
0x2b: {  	s6 =	sld [smem:$0x3FAB]  }
0x2c: {  	s7 =	sld [smem:$0x3FAC]  }
0x2d: {  	s3 =	simm.s32 $0x108;
	s8 =	sld [smem:$0x3FAD]  }
0x2e: {  	s3 =	simm.s32 @!p0 $0x1082;
	s9 =	sld [smem:$0x3FAE]  }
0x2f: {  	lr =	sadd.s32 s0, s3;
	s0 =	sld [smem:$0x3FA5]  }
0x30: {  	s3 =	sld [smem:$0x3FA8]  }
0x31: {  	[smem:$0x3FB1] =	sst s10  }
0x32: {  	s10 =	sld [smem:$0x3FAF];
	_ =	sdelay $0x3  }
0x33: {  	p0 =	seq.s32 s10, $0x1;
	s10 =	sld [smem:$0x3FB1];
	_ =	sdelay $0x3  }
0x34: {  	[smem:$0x3FB1] =	sst s10  }
0x35: {  	s10 =	sld [smem:$0x3FB0];
	_ =	sdelay $0x3  }
0x36: {  	p1 =	seq.s32 s10, $0x1;
	s10 =	sld [smem:$0x3FB1];
	_ =	sdelay $0x3  }
0x37: {  	[smem:$0x3FB1] =	sst s10  }
0x38: {  	s10 =	sld [smem:$0x3FB2]  }
0x39: {  	_ = 	snop;
	(pc) =	sbr.ind lr, $3  }
0x3a: {  	_ = 	snop  }
0x3b: {  	_ = 	snop  }
0x3c: {  	p2 =	seq.s32 s10, $0x1;
	s10 =	sld [smem:$0x3FB1]  }
0x3d: {  	_ =	shalt  }
0x3e: {  	_ =	shalt  }
0x3f: {  	_ =	shalt  }
0x40: {  	_ =	shalt  }
0x41: {  	_ =	shalt  }
0x42: {  	_ =	shalt  }
0x43: {  	_ =	shalt  }
0x44: {  	_ =	shalt  }
0x45: {  	_ =	shalt  }
0x46: {  	_ =	shalt  }
0x47: {  	_ =	shalt  }
0x48: {  	_ =	shalt  }
0x49: {  	_ =	shalt  }
0x4a: {  	_ =	shalt  }
0x4b: {  	_ =	shalt  }
0x4c: {  	_ =	shalt  }
0x4d: {  	_ =	shalt  }
0x4e: {  	_ =	shalt  }
0x4f: {  	_ =	shalt  }
0x50: {  	_ =	shalt  }
0x51: {  	_ =	shalt  }
0x52: {  	_ =	shalt  }
0x53: {  	_ =	shalt  }
0x54: {  	_ =	shalt  }
0x55: {  	_ =	shalt  }
0x56: {  	_ =	shalt  }
0x57: {  	_ =	shalt  }
0x58: {  	_ =	shalt  }
0x59: {  	_ =	shalt  }
0x5a: {  	_ =	shalt  }
0x5b: {  	_ =	shalt  }
0x5c: {  	_ =	shalt  }
0x5d: {  	_ =	shalt  }
0x5e: {  	_ =	shalt  }
0x5f: {  	_ =	shalt  }
0x60: {  	_ =	shalt  }
0x61: {  	_ =	shalt  }
0x62: {  	_ =	shalt  }
0x63: {  	_ =	shalt  }
0x64: {  	_ =	shalt  }
0x65: {  	_ =	shalt  }
0x66: {  	_ =	shalt  }
0x67: {  	_ =	shalt  }
0x68: {  	_ =	shalt  }
0x69: {  	_ =	shalt  }
0x6a: {  	_ =	shalt  }
0x6b: {  	_ =	shalt  }
0x6c: {  	_ =	shalt  }
0x6d: {  	_ =	shalt  }
0x6e: {  	_ =	shalt  }
0x6f: {  	_ =	shalt  }
0x70: {  	_ =	shalt  }
0x71: {  	_ =	shalt  }
0x72: {  	_ =	shalt  }
0x73: {  	_ =	shalt  }
0x74: {  	_ =	shalt  }
0x75: {  	_ =	shalt  }
0x76: {  	_ =	shalt  }
0x77: {  	_ =	shalt  }
0x78: {  	_ =	shalt  }
0x79: {  	_ =	shalt  }
0x7a: {  	_ =	shalt  }
0x7b: {  	_ =	shalt  }
0x7c: {  	_ =	shalt  }
0x7d: {  	_ =	shalt  }
0x7e: {  	_ =	shalt  }
0x7f: {  	_ =	shalt  }
0x80: {  	_ =	shalt  }
0x81: {  	_ =	shalt  }
0x82: {  	_ =	shalt  }
0x83: {  	_ =	shalt  }
0x84: {  	_ =	shalt  }
0x85: {  	_ =	shalt  }
0x86: {  	_ =	shalt  }
0x87: {  	_ =	shalt  }
.Lfunc_end0:
.L_simem_size_0:
called_computation_lowered:
.L_overlay_start_0:
0x88: {  	s2 =	sld [smem:$0x3FD9]  }
0x89: {  	s3 =	sld [smem:$0x3FFE];
	_ =	sdelay $0x1  }
0x8a: {  	s1 =	srdreg.scid  }
0x8b: {  	s0 =	sand.u32 $0x1, s1  }
0x8c: {  	s14 =	sshll.u32 s0, $0xA;
	s2 =	sadd.s32 s3, s2  }
0x8d: {  	s2 =	sadd.s32 s2, s14  }
0x8e: {  	[smem:$0x3FBD] =	sst s2  }
0x8f: {  	_ = 	snop  }
0x90: {  	s2 =	sld [smem:$0x3FD0];
	_ =	sdelay $0x2  }
0x91: {  	s15 =	simm.s32 $0xA;
	s4 =	simm.s32 $0x10  }
0x92: {  	[smem:s4], [sflag:s15] =	dma.local [hbm:s2], $0x1  }
0x93: {  	_ =	swait.eq [sflag:s15], $0x1  }
0x94: {  	[sflag:s15] =	ssyncset.done $0x0  }
0x95: {  	s16 =	sld [smem:$0x10];
	[sflag:s15] =	ssyncadd.s32 $0xFFFFFFFF  }
0x96: {  	s17 =	sld [smem:$0x11];
	(tm) =	ssettm $0x1  }
0x97: {  	s18 =	sld [smem:$0x3FFB];
	_ =	sdelay $0x3  }
0x98: {  	_ =	strace s18  }
0x99: {  	s4 =	sld [smem:$0x3FFC];
	_ =	sdelay $0x3  }
0x9a: {  	_ =	strace s4  }
0x9b: {  	s4 =	sld [smem:$0x3FFD];
	_ =	sdelay $0x3  }
0x9c: {  	_ =	strace s4  }
0x9d: {  	_ =	strace $0x8FFFFFFF  }
0x9e: {  	s19 =	sld [smem:$0x3FDB];
	_ =	sdelay $0x1  }
0x9f: {  	s5 =	simm.s32 $_scs_section_size  }
0xa0: {  	s6 =	simm.s32 $_size__tile_overlayer_lowered;
	s7 =	simm.s32 $_tile_overlayer_lowered  }
0xa1: {  	s22 =	simm.s32 $0x1BFF;
	s21 =	sshll.u32 s7, $0x1;
	s4 =	sadd.s32 s5, s19  }
0xa2: {  	s8 =	simm.s32 $0x0;
	s20 =	sshll.u32 s6, $0x1;
	s6 =	sadd.s32 s21, s4  }
0xa3: {  	[timem:s8], [sflag:s22] =	dma.local [hbm:s6], s20  }
0xa4: {  	_ =	swait.ge [sflag:s22], s20  }
0xa5: {  	s5 =	ssub.s32 $0x0, s20;
	[sflag:s22] =	ssyncset.done $0x0  }
0xa6: {  	[sflag:s22] =	ssyncadd.s32 s5;
	_ =	sdelay $0x1  }
0xa7: {  	s23 =	simm.s32 $0x1B8B  }
0xa8: {  	_ =	swait.ge [sflag:s23], $0x1  }
0xa9: {  	[sflag:s23] =	ssyncset.done $0x0  }
0xaa: {  	s25 =	simm.s32 $0x1B8E;
	s24 =	sld [smem:$0x3FFE];
	[sflag:s23] =	ssyncadd.s32 $0xFFFFFFFF  }
0xab: {  	s26 =	simm.s32 $execute0_lowered;
	[smem:$0x3FD2] =	sst s25  }
0xac: {  	s6 =	sshll.u32 s26, $0x1;
	_ =	strace $0x80000046;
	[dreg:$0x1] =	wrdreg $0xFFFFFFFF  }
0xad: {  	s28 =	simm.s32 $_size_execute0_lowered;
	s4 =	sadd.s32 s4, s6;
	[dreg:$0x0] =	wrdreg $0x0  }
0xae: {  	s6 =	sshll.u32 s28, $0x1;
	[dreg:$0x2] =	wrdreg s4  }
0xaf: {  	[dreg:$0x3] =	wrdreg s6  }
0xb0: {  	[dreg:$0x4] =	wrdreg $0xC0  }
0xb1: {  	_ =	task [dreg:s8], $0x5FFFF  }
0xb2: {  	[dreg:$0x1] =	wrdreg $0xFFFFFFFF  }
0xb3: {  	[dreg:$0x0] =	wrdreg $0x60  }
0xb4: {  	[dreg:$0x2] =	wrdreg s16  }
0xb5: {  	[dreg:$0x3] =	wrdreg s17  }
0xb6: {  	[dreg:$0x4] =	wrdreg s24  }
0xb7: {  	[dreg:$0x5] =	wrdreg $0x68000  }
0xb8: {  	[dreg:$0x6] =	wrdreg $0x9  }
0xb9: {  	_ =	task.clear_ibuf [dreg:s8], $0x7FFFF;
	_ =	strace $0x90000046  }
0xba: {  	s29 =	simm.s32 $0x9;
	_ =	strace $0x80000048  }
0xbb: {  	_ =	swait.ge [sflag:s29], $0x1  }
0xbc: {  	[sflag:s29] =	ssyncadd.s32 $0xFFFFFFFF  }
0xbd: {  	_ =	strace $0x90000048  }
0xbe: {  	_ =	sfence  }
0xbf: {  	s30 =	sld [smem:$0x0];
	_ =	sdelay $0x2  }
0xc0: {  	s31 =	sshll.u32 s1, $0xD;
	s1 =	sshrl.u32 s1, $0x2  }
0xc1: {  	s3 =	sand.u32 $0x4000, s31;
	s1 =	sadd.s32 s1, s30  }
0xc2: {  	s0 =	sor.u32 s3, s0;
	s1 =	sshll.u32 s1, $0x11  }
0xc3: {  	s0 =	sor.u32 s1, s0  }
0xc4: {  	s0 =	sadd.s32 $0x8F2B, s0  }
0xc5: {  	[sflag:s0] =	ssyncadd.remote.s32 $0x1  }
0xc6: {  	_ =	sfence.sel $0xFFFF  }
0xc7: {  	[dreg:$0x0] =	wrdreg $0xFFFFFFFF;
	(pc) =	sbr.abs _section_cstart, $3  }
0xc8: {  	[dreg:$0x1] =	wrdreg $0xFFFFFFFF  }
0xc9: {  	_ =	task.clear_ibuf [dreg:s8], $0x2FFFF;
	_ =	strace $0x9FFFFFFF  }
0xca: {  	(tm) =	ssettm $0x7FFFFFFF  }
0xcb: {  	_ =	shalt  }
tec
execute0_lowered:
.L_overlay_start_1:
0x0: {  	(tag) =	ssettag $0x1  }
0x1: {  	s6 =	rddreg [dreg:$0x0]  }
0x2: {  	s2 =	rddreg [dreg:$0x1]  }
0x3: {  	s5 =	rddreg [dreg:$0x2]  }
0x4: {  	s3 =	rddreg [dreg:$0x3]  }
0x5: {  	s0 =	rddreg [dreg:$0x4]  }
0x6: {  	s1 =	stileid.u32;
	s7 =	srdreg.scid;
	s4 =	simm.s32 $0x0  }
0x7: {  	s13 =	simm.s32 $0x50;
	s14 =	simm.s32 $0x0;
	s8 =	smul.u32 $0x14000, s1  }
0x8: {  	s7 =	sand.u32 $0x1, s7;
	[smem:$0x7FF] =	sst s4;
	s11 =	smul.u32 $0x50000, s1  }
0x9: {  	s30 =	sshll.u32 s1, $0xB;
	s31 =	sshll.u32 s1, $0x6;
	s9 =	smul.u32 $0x140000, s7  }
0xa: {  	_ =	strace $0x80000047;
	s28 =	ssub.s32 $0x2, s7;
	s7 =	sshll.u32 s7, $0xF  }
0xb: {  	s10 =	sshrl.u32 s8, $0x3;
	s12 =	sshrl.u32 s28, $0x1;
	s29 =	sshrl.u32 s11, $0x2  }
0xc: {  	s8 =	sadd.s32 s8, s9;
	s10 =	sadd.s32 s10, s5;
	s9 =	ssub.s32 s28, s12  }
0xd: {  	s11 =	sadd.s32 s29, s3;
	s12 =	simm.s32 $0x4000;
	s8 =	sshrl.u32 s8, $0x3  }
0xe: {  	s8 =	sadd.s32 s8, s5;
	s5 =	sadd.s32 $0x3000, s10;
	s10 =	sadd.s32 s6, s30  }
0xf: {  	s9 =	smax.u32 s9, $0x1;
	s6 =	sor.u32 $0x1C01, s31;
	s7 =	sadd.s32 s7, s10  }
0x10: {  	s8 =	sadd.s32 $0x2B000, s8;
	s10 =	sshrl.u32 s11, $0x3;
	s11 =	simm.s32 $0x1  }
.LBB2_1:
0x11: {  	[spmem:s10], [sflag:s6] =	dma.local [hbm:s5], $0x2800  }
0x12: {  	_ =	swait.ge [sflag:s11], $0x2800  }
0x13: {  	[sflag:s11] =	ssyncset.done $0x0  }
0x14: {  	[sflag:s11] =	ssyncadd.s32 $0xFFFFD800  }
0x15: {  	[tilespmem:s12], [sflag:$0x1] =	stream.linear.gather [hbm4b:s2+s4], $0x2800, $0x38;
	[tilespmem:$0x9000] =	vst v63  }
0x16: {  	_ =	swait.ge [sflag:s11], $0x2800  }
0x17: {  	[sflag:s11] =	ssyncset.done $0x0  }
0x18: {  	[sflag:s11] =	ssyncadd.s32 $0xFFFFD800  }
0x19: {  	[tilespmem:s4], [sflag:$0x1] =	stream.linear.gather [hbm4b:s7+s4], $0x3E80, $0x38;
	[tilespmem:$0x9000] =	vst v63  }
0x1a: {  	_ =	swait.ge [sflag:s11], $0x3E80  }
0x1b: {  	[sflag:s11] =	ssyncset.done $0x0  }
0x1c: {  	[sflag:s11] =	ssyncadd.s32 $0xFFFFC180  }
0x1d: {  	s15 =	simm.s32 $0x0;
	[bflag:$0x0] =	sbarrier.arrive $0xFFFF  }
0x1e: {  	[spmem:s3] =	stream.indirect.scatter.add.f32 [tilespmem:s12], [sflag:$0x1], $0x10, s15, s13, $0xb8;
	[tilespmem:$0x9000] =	vst v63  }
0x1f: {  	_ =	swait.ge [sflag:s11], $0x500  }
0x20: {  	s15 =	simm.s32 $0x200;
	[sflag:s11] =	ssyncset.done $0x0  }
.LBB2_2:
0x21: {  	s16 =	sshra.s32 s15, $0x2;
	[sflag:s11] =	ssyncadd.s32 $0xFFFFFB00;
	p0 =	sne.s32 s15, $0xF800  }
0x22: {  	[spmem:s3] =	stream.indirect.scatter.add.f32 [tilespmem:s12], [sflag:$0x1], $0x10, s16, s13, $0xb8;
	[tilespmem:$0x9000] =	vst v63  }
.Ltmp0:
0x23: {  	_ = 	snop;
	(pc) =	sbr.rel @p0 .LBB2_2-.Ltmp0, $4  }
0x24: {  	_ = 	snop  }
0x25: {  	s15 =	sadd.s32 $0x200, s15  }
0x26: {  	_ =	swait.ge [sflag:s11], $0x500  }
0x27: {  	[sflag:s11] =	ssyncset.done $0x0  }
0x28: {  	s14 =	sadd.s32 $0x1, s14  }
0x29: {  	[sflag:s11] =	ssyncadd.s32 $0xFFFFFB00;
	p0 =	sne.s32 s14, s9  }
.Ltmp1:
0x2a: {  	[bflag:$0x0] =	sbarrier.arrive $0xFFFF;
	(pc) =	sbr.rel @p0 .LBB2_1-.Ltmp1, $4  }
0x2b: {  	[hbm:s8], [sflag:s6] =	dma.local [spmem:s10], $0x2800  }
0x2c: {  	_ =	swait.ge [sflag:s11], $0x2800  }
0x2d: {  	[sflag:s11] =	ssyncset.done $0x0  }
0x2e: {  	[sflag:s11] =	ssyncadd.s32 $0xFFFFD800  }
0x2f: {  	_ =	sfence.sel $0x180000  }
0x30: {  	[bflag:$0x0] =	sbarrier.arrive $0xFFFF  }
0x31: {  	p0 =	sne.s32 s1, $0x0;
	_ =	strace $0x90000047  }
0x32: {  	s0 =	sadd.s32 @!p0 $0x100000, s0;
	[bflag:$0x2] =	sbarrier.arrive $0xFFFF  }
0x33: {  	[sflag:s0] =	ssyncadd.tile.s32 @!p0 $0x1;
	_ =	shalt  }
.Lfunc_end2:
_tile_overlayer_lowered:
.L_overlay_start_2:
0x34: {  	(tag) =	ssettag $0x2  }
0x35: {  	s0 =	rddreg [dreg:$0x0];
	s2 =	stileid.u32  }
0x36: {  	s1 =	rddreg [dreg:$0x1];
	p0 =	sne.s32 s2, $0x0  }
0x37: {  	s3 =	rddreg [dreg:$0x2];
	[bflag:$0x3] =	sbarrier.arrive $0xFFFF;
	s2 =	simm.s32 @!p0 $0x1C01  }
0x38: {  	[timem:s3], [sflag:s2] =	dma.local @!p0 [hbm:s0], s1  }
0x39: {  	s0 =	simm.s32 @!p0 $0x1  }
0x3a: {  	_ =	swait.ge @!p0 [sflag:s0], s1  }
0x3b: {  	s1 =	ssub.s32 @!p0 $0x0, s1;
	[sflag:s0] =	ssyncset.done @!p0 $0x0  }
0x3c: {  	[sflag:s0] =	ssyncadd.s32 @!p0 s1  }
0x3d: {  	[bflag:$0x3] =	sbarrier.arrive $0xFFFF  }
0x3e: {  	_ =	shalt  }

// kernel: kernel.9.cloned.1.call-start
scs
__scs_entry_jumppad:
0x0: {  	(pc) =	sbr.rel $0x88, $3  }
0x1: {  	(tag) =	ssettag $0x0;
	lr =	simm.s32 $0x1  }
0x2: {  	[smem:$0x3F96] =	sst lr;
	_ =	strace $0xD0000000  }
0x3: {  	_ = 	snop  }
0x4: {  	_ = 	snop  }
0x5: {  	_ = 	snop  }
0x6: {  	_ = 	snop  }
0x7: {  	_ = 	snop  }
__scs_overlays_trampoline_lowered:
0x8: {  	[smem:$0x3FA5] =	sst s0  }
0x9: {  	[smem:$0x3FA6] =	sst s1  }
0xa: {  	[smem:$0x3FA7] =	sst s2  }
0xb: {  	[smem:$0x3FA8] =	sst s3  }
0xc: {  	[smem:$0x3FA9] =	sst s4  }
0xd: {  	[smem:$0x3FAA] =	sst s5  }
0xe: {  	[smem:$0x3FAB] =	sst s6  }
0xf: {  	[smem:$0x3FAC] =	sst s7  }
0x10: {  	[smem:$0x3FAD] =	sst s8  }
0x11: {  	[smem:$0x3FAE] =	sst s9;
	s0 =	simm.s32 @!p0 $0x0  }
0x12: {  	s1 =	sld [smem:$0x3F94];
	s0 =	simm.s32 @p0 $0x1  }
0x13: {  	[smem:$0x3FAF] =	sst s0;
	s0 =	simm.s32 @!p1 $0x0  }
0x14: {  	s2 =	sld [smem:$0x3F93];
	s0 =	simm.s32 @p1 $0x1  }
0x15: {  	[smem:$0x3FB0] =	sst s0;
	s0 =	simm.s32 @!p2 $0x0  }
0x16: {  	s3 =	sld [smem:$0x3FDB];
	s0 =	simm.s32 @p2 $0x1  }
0x17: {  	s4 =	simm.s32 $0x1BF5;
	[smem:$0x3FB2] =	sst s0  }
0x18: {  	s0 =	sld [smem:$0x3F95];
	_ =	swait.ge [sflag:s4], $0x0  }
0x19: {  	s7 =	sld [smem:$0x3F96]  }
0x1a: {  	s8 =	sadd.s32 $0xFFFFE003, lr  }
0x1b: {  	s9 =	sadd.s32 $0xFFFFFEF7, lr;
	s5 =	simm.s32 $0xFFFFFFFF;
	p2 =	slt.u32 s8, $0xFFFFF086  }
0x1c: {  	p1 =	slt.u32 s9, $0xF7A;
	s5 =	simm.s32 @!p2 $0x0  }
0x1d: {  	s5 =	simm.s32 @p1 $0x1;
	p0 =	seq.s32 s7, s2  }
0x1e: {  	s7 =	smul.u32 @!p0 $0xF7A, s2;
	p2 =	seq.s32 @!p0 s5, $0x0  }
0x1f: {  	s9 =	smul.u32 $0xF7A, s1;
	s8 =	simm.s32 @!p0 $0x1BF5;
	p2 =	por !p2, p0  }
0x20: {  	[sflag:s8] =	ssyncset.s32 @!p0 $0xFFFFF086;
	s6 =	sadd.s32 @!p0 s3, s7;
	s7 =	simm.s32 @!p0 $0x108  }
0x21: {  	s3 =	sadd.s32 s3, s9;
	s6 =	sadd.s32 @!p0 $0x88, s6;
	s7 =	simm.s32 @p2 $0x1082  }
0x22: {  	[simem:s7], [sflag:s8] =	dma.local @!p0 [hbm:s6], $0xF7A  }
0x23: {  	s9 =	sor.u32 $0xD0000000, s2;
	s6 =	simm.s32 $0x108;
	_ =	swait.ge @!p0 [sflag:s8], $0x0  }
0x24: {  	s3 =	sadd.s32 $0x88, s3;
	s6 =	simm.s32 @!p1 $0x1082;
	[sflag:s4] =	ssyncset.s32 $0xFFFFF086  }
0x25: {  	[simem:s6], [sflag:s4] =	dma.local [hbm:s3], $0xF7A  }
0x26: {  	[smem:$0x3F96] =	sst s1;
	(tag) =	ssettag s2;
	_ =	strace s9  }
0x27: {  	s1 =	sld [smem:$0x3FA6]  }
0x28: {  	s2 =	sld [smem:$0x3FA7]  }
0x29: {  	s4 =	sld [smem:$0x3FA9]  }
0x2a: {  	p0 =	seq.s32 s5, $0x0;
	s5 =	sld [smem:$0x3FAA]  }
0x2b: {  	s6 =	sld [smem:$0x3FAB]  }
0x2c: {  	s7 =	sld [smem:$0x3FAC]  }
0x2d: {  	s3 =	simm.s32 $0x108;
	s8 =	sld [smem:$0x3FAD]  }
0x2e: {  	s3 =	simm.s32 @!p0 $0x1082;
	s9 =	sld [smem:$0x3FAE]  }
0x2f: {  	lr =	sadd.s32 s0, s3;
	s0 =	sld [smem:$0x3FA5]  }
0x30: {  	s3 =	sld [smem:$0x3FA8]  }
0x31: {  	[smem:$0x3FB1] =	sst s10  }
0x32: {  	s10 =	sld [smem:$0x3FAF];
	_ =	sdelay $0x3  }
0x33: {  	p0 =	seq.s32 s10, $0x1;
	s10 =	sld [smem:$0x3FB1];
	_ =	sdelay $0x3  }
0x34: {  	[smem:$0x3FB1] =	sst s10  }
0x35: {  	s10 =	sld [smem:$0x3FB0];
	_ =	sdelay $0x3  }
0x36: {  	p1 =	seq.s32 s10, $0x1;
	s10 =	sld [smem:$0x3FB1];
	_ =	sdelay $0x3  }
0x37: {  	[smem:$0x3FB1] =	sst s10  }
0x38: {  	s10 =	sld [smem:$0x3FB2]  }
0x39: {  	_ = 	snop;
	(pc) =	sbr.ind lr, $3  }
0x3a: {  	_ = 	snop  }
0x3b: {  	_ = 	snop  }
0x3c: {  	p2 =	seq.s32 s10, $0x1;
	s10 =	sld [smem:$0x3FB1]  }
0x3d: {  	_ =	shalt  }
0x3e: {  	_ =	shalt  }
0x3f: {  	_ =	shalt  }
0x40: {  	_ =	shalt  }
0x41: {  	_ =	shalt  }
0x42: {  	_ =	shalt  }
0x43: {  	_ =	shalt  }
0x44: {  	_ =	shalt  }
0x45: {  	_ =	shalt  }
0x46: {  	_ =	shalt  }
0x47: {  	_ =	shalt  }
0x48: {  	_ =	shalt  }
0x49: {  	_ =	shalt  }
0x4a: {  	_ =	shalt  }
0x4b: {  	_ =	shalt  }
0x4c: {  	_ =	shalt  }
0x4d: {  	_ =	shalt  }
0x4e: {  	_ =	shalt  }
0x4f: {  	_ =	shalt  }
0x50: {  	_ =	shalt  }
0x51: {  	_ =	shalt  }
0x52: {  	_ =	shalt  }
0x53: {  	_ =	shalt  }
0x54: {  	_ =	shalt  }
0x55: {  	_ =	shalt  }
0x56: {  	_ =	shalt  }
0x57: {  	_ =	shalt  }
0x58: {  	_ =	shalt  }
0x59: {  	_ =	shalt  }
0x5a: {  	_ =	shalt  }
0x5b: {  	_ =	shalt  }
0x5c: {  	_ =	shalt  }
0x5d: {  	_ =	shalt  }
0x5e: {  	_ =	shalt  }
0x5f: {  	_ =	shalt  }
0x60: {  	_ =	shalt  }
0x61: {  	_ =	shalt  }
0x62: {  	_ =	shalt  }
0x63: {  	_ =	shalt  }
0x64: {  	_ =	shalt  }
0x65: {  	_ =	shalt  }
0x66: {  	_ =	shalt  }
0x67: {  	_ =	shalt  }
0x68: {  	_ =	shalt  }
0x69: {  	_ =	shalt  }
0x6a: {  	_ =	shalt  }
0x6b: {  	_ =	shalt  }
0x6c: {  	_ =	shalt  }
0x6d: {  	_ =	shalt  }
0x6e: {  	_ =	shalt  }
0x6f: {  	_ =	shalt  }
0x70: {  	_ =	shalt  }
0x71: {  	_ =	shalt  }
0x72: {  	_ =	shalt  }
0x73: {  	_ =	shalt  }
0x74: {  	_ =	shalt  }
0x75: {  	_ =	shalt  }
0x76: {  	_ =	shalt  }
0x77: {  	_ =	shalt  }
0x78: {  	_ =	shalt  }
0x79: {  	_ =	shalt  }
0x7a: {  	_ =	shalt  }
0x7b: {  	_ =	shalt  }
0x7c: {  	_ =	shalt  }
0x7d: {  	_ =	shalt  }
0x7e: {  	_ =	shalt  }
0x7f: {  	_ =	shalt  }
0x80: {  	_ =	shalt  }
0x81: {  	_ =	shalt  }
0x82: {  	_ =	shalt  }
0x83: {  	_ =	shalt  }
0x84: {  	_ =	shalt  }
0x85: {  	_ =	shalt  }
0x86: {  	_ =	shalt  }
0x87: {  	_ =	shalt  }
.Lfunc_end0:
.L_simem_size_0:
called_computation.1_lowered:
.L_overlay_start_0:
0x88: {  	s2 =	sld [smem:$0x3FD9]  }
0x89: {  	s3 =	sld [smem:$0x3FFE];
	_ =	sdelay $0x1  }
0x8a: {  	s1 =	srdreg.scid  }
0x8b: {  	s0 =	sand.u32 $0x1, s1  }
0x8c: {  	s16 =	sshll.u32 s0, $0xA;
	s2 =	sadd.s32 s3, s2  }
0x8d: {  	s2 =	sadd.s32 s2, s16  }
0x8e: {  	[smem:$0x3FBD] =	sst s2  }
0x8f: {  	_ = 	snop  }
0x90: {  	(tm) =	ssettm $0x1  }
0x91: {  	s17 =	sld [smem:$0x3FFB];
	_ =	sdelay $0x3  }
0x92: {  	_ =	strace s17  }
0x93: {  	s2 =	sld [smem:$0x3FFC];
	_ =	sdelay $0x3  }
0x94: {  	_ =	strace s2  }
0x95: {  	s2 =	sld [smem:$0x3FFD];
	_ =	sdelay $0x3  }
0x96: {  	_ =	strace s2  }
0x97: {  	_ =	strace $0x8FFFFFFF  }
0x98: {  	s18 =	sld [smem:$0x3FDB];
	_ =	sdelay $0x1  }
0x99: {  	s19 =	simm.s32 $_scs_section_size  }
0x9a: {  	s4 =	simm.s32 $_size__tile_overlayer_lowered;
	s5 =	simm.s32 $_tile_overlayer_lowered  }
0x9b: {  	s22 =	simm.s32 $0x1BFF;
	s21 =	sshll.u32 s5, $0x1;
	s2 =	sadd.s32 s19, s18  }
0x9c: {  	s6 =	simm.s32 $0x0;
	s20 =	sshll.u32 s4, $0x1;
	s4 =	sadd.s32 s21, s2  }
0x9d: {  	[timem:s6], [sflag:s22] =	dma.local [hbm:s4], s20  }
0x9e: {  	_ =	swait.ge [sflag:s22], s20  }
0x9f: {  	s3 =	ssub.s32 $0x0, s20;
	[sflag:s22] =	ssyncset.done $0x0  }
0xa0: {  	[sflag:s22] =	ssyncadd.s32 s3;
	_ =	sdelay $0x1  }
0xa1: {  	s23 =	simm.s32 $0x1B8B  }
0xa2: {  	_ =	swait.ge [sflag:s23], $0x1  }
0xa3: {  	[sflag:s23] =	ssyncset.done $0x0  }
0xa4: {  	s25 =	simm.s32 $0x1B8E;
	s24 =	sld [smem:$0x3FFE];
	[sflag:s23] =	ssyncadd.s32 $0xFFFFFFFF  }
0xa5: {  	s26 =	simm.s32 $execute0_lowered;
	[smem:$0x3FD2] =	sst s25  }
0xa6: {  	s4 =	sshll.u32 s26, $0x1;
	_ =	strace $0x80000049;
	[dreg:$0x1] =	wrdreg $0xFFFFFFFF  }
0xa7: {  	s28 =	simm.s32 $_size_execute0_lowered;
	s2 =	sadd.s32 s2, s4;
	[dreg:$0x0] =	wrdreg $0x0  }
0xa8: {  	s4 =	sshll.u32 s28, $0x1;
	[dreg:$0x2] =	wrdreg s2  }
0xa9: {  	[dreg:$0x3] =	wrdreg s4  }
0xaa: {  	[dreg:$0x4] =	wrdreg $0xC0  }
0xab: {  	_ =	task [dreg:s6], $0x5FFFF  }
0xac: {  	[dreg:$0x1] =	wrdreg $0xFFFFFFFF  }
0xad: {  	[dreg:$0x0] =	wrdreg $0x60  }
0xae: {  	[dreg:$0x2] =	wrdreg s24  }
0xaf: {  	[dreg:$0x3] =	wrdreg $0x52000  }
0xb0: {  	[dreg:$0x4] =	wrdreg $0x9  }
0xb1: {  	_ =	task.clear_ibuf [dreg:s6], $0x5FFFF;
	_ =	strace $0x90000049  }
0xb2: {  	s29 =	simm.s32 $0x9;
	_ =	strace $0x8000004B  }
0xb3: {  	_ =	swait.ge [sflag:s29], $0x1  }
0xb4: {  	[sflag:s29] =	ssyncadd.s32 $0xFFFFFFFF  }
0xb5: {  	_ =	strace $0x9000004B  }
0xb6: {  	_ =	sfence  }
0xb7: {  	s30 =	sld [smem:$0x0];
	_ =	sdelay $0x2  }
0xb8: {  	s31 =	sshll.u32 s1, $0xD;
	s1 =	sshrl.u32 s1, $0x2  }
0xb9: {  	s3 =	sand.u32 $0x4000, s31;
	s1 =	sadd.s32 s1, s30  }
0xba: {  	s0 =	sor.u32 s3, s0;
	s1 =	sshll.u32 s1, $0x11  }
0xbb: {  	s0 =	sor.u32 s1, s0  }
0xbc: {  	s0 =	sadd.s32 $0x8F2B, s0  }
0xbd: {  	[sflag:s0] =	ssyncadd.remote.s32 $0x1  }
0xbe: {  	_ =	sfence.sel $0xFFFF  }
0xbf: {  	[dreg:$0x0] =	wrdreg $0xFFFFFFFF;
	(pc) =	sbr.abs _section_cstart, $3  }
0xc0: {  	[dreg:$0x1] =	wrdreg $0xFFFFFFFF  }
0xc1: {  	_ =	task.clear_ibuf [dreg:s6], $0x2FFFF;
	_ =	strace $0x9FFFFFFF  }
0xc2: {  	(tm) =	ssettm $0x7FFFFFFF  }
0xc3: {  	_ =	shalt  }
tec
execute0_lowered:
.L_overlay_start_1:
0x0: {  	(tag) =	ssettag $0x1  }
0x1: {  	s0 =	rddreg [dreg:$0x0]  }
0x2: {  	s1 =	rddreg [dreg:$0x1];
	s3 =	simm.s32 $0x0  }
0x3: {  	s2 =	srdreg.scid;
	s13 =	stileid.u32;
	s28 =	simm.s32 $0x1  }
0x4: {  	s29 =	simm.s32 $0x80;
	s30 =	simm.s32 $0x2;
	s31 =	simm.s32 $0x180  }
0x5: {  	[smem:$0x7FF] =	sst s3;
	s4 =	sadd.s32 $0x194400, s0;
	s6 =	smul.u32 $0x280, s13  }
0x6: {  	s2 =	sand.u32 $0x1, s2;
	s5 =	sadd.s32 $0x117400, s0;
	s11 =	smul.u32 $0x50000, s13  }
0x7: {  	s9 =	sadd.s32 $0x3000, s0;
	s12 =	smul.u32 $0xFA00, s13;
	s15 =	sshll.u32 s13, $0x6  }
0x8: {  	s13 =	smul.u32 $0x14000, s13;
	s0 =	sadd.s32 $0x117420, s0;
	s7 =	ssub.s32 $0x2, s2  }
0x9: {  	_ =	strace $0x8000004A;
	s14 =	smul.u32 $0x1F4000, s2;
	s10 =	sshrl.u32 s7, $0x1  }
0xa: {  	s8 =	smul.u32 $0x5000, s2;
	s11 =	sshrl.u32 s11, $0x2;
	s7 =	ssub.s32 s7, s10  }
0xb: {  	s10 =	sadd.s32 s12, s14;
	s14 =	smul.u32 $0x280000, s2;
	s2 =	sshllo.u32 s2, $0x1  }
0xc: {  	s8 =	sadd.s32 s6, s8;
	s11 =	sadd.s32 s11, s1;
	s17 =	smul.u32 $0x2800, s2  }
0xd: {  	s8 =	sshll.u32 s8, $0x4;
	[dreg:$0x3] =	wrdreg s11;
	s19 =	smul.u32 $0xFA000, s2  }
0xe: {  	s16 =	sshrl.u32 s10, $0x3;
	s2 =	smul.u32 $0x140000, s2;
	s22 =	sadd.s32 $0x300, s10  }
0xf: {  	s23 =	sadd.s32 $0xFA300, s10;
	s24 =	sadd.s32 $0xFA200, s10;
	s8 =	sadd.s32 s4, s8  }
0x10: {  	s11 =	sadd.s32 s16, s0;
	s18 =	sadd.s32 s13, s14;
	s25 =	sshrl.u32 s23, $0x3  }
0x11: {  	s26 =	sshrl.u32 s24, $0x3;
	s23 =	simm.s32 $0x200;
	s24 =	simm.s32 $0x100  }
0x12: {  	[dreg:$0x4] =	wrdreg s8;
	s8 =	sor.u32 $0x1C05, s15;
	s15 =	sadd.s32 s5, s16  }
0x13: {  	[dreg:$0x6] =	wrdreg s11;
	s11 =	sshrl.u32 s18, $0x3;
	s6 =	sadd.s32 s6, s17  }
0x14: {  	s14 =	sadd.s32 s12, s19;
	s2 =	sadd.s32 s13, s2;
	s16 =	smax.u32 s7, $0x1  }
0x15: {  	s18 =	sadd.s32 $0x200, s10;
	s19 =	sadd.s32 s25, s5;
	s25 =	simm.s32 $0x4  }
0x16: {  	[dreg:$0x5] =	wrdreg s15;
	s11 =	sadd.s32 s9, s11;
	s6 =	sshll.u32 s6, $0x4  }
0x17: {  	s20 =	sshrl.u32 s14, $0x3;
	s21 =	sshrl.u32 s2, $0x3;
	s2 =	simm.s32 $0x0  }
0x18: {  	[dreg:$0x7] =	wrdreg s11;
	s12 =	sadd.s32 s4, s6;
	s13 =	sadd.s32 s5, s20  }
0x19: {  	s14 =	sadd.s32 s20, s0;
	s15 =	sadd.s32 s9, s21;
	s0 =	sshrl.u32 s22, $0x3  }
0x1a: {  	s20 =	sadd.s32 s26, s5;
	s21 =	simm.s32 $0x5;
	s22 =	simm.s32 $0x50  }
0x1b: {  	s26 =	simm.s32 $0x2A00;
	s17 =	sadd.s32 s0, s5;
	s0 =	simm.s32 $0x3  }
.LBB2_1:
0x1c: {  	s6 =	rddreg [dreg:$0x3]  }
0x1d: {  	s7 =	rddreg [dreg:$0x4];
	s6 =	sshrl.u32 s6, $0x3  }
0x1e: {  	[spmem:s6], [sflag:s8] =	dma.local [hbm:s7], $0x2800  }
0x1f: {  	_ =	swait.ge [sflag:s21], $0x2800  }
0x20: {  	[sflag:s21] =	ssyncset.done $0x0  }
0x21: {  	[sflag:s21] =	ssyncadd.s32 $0xFFFFD800  }
0x22: {  	[bflag:$0x0] =	sbarrier.arrive $0xFFFF  }
0x23: {  	s9 =	rddreg [dreg:$0x5]  }
0x24: {  	[tilespmem:s3], [sflag:$0x5] =	stream.linear.gather [hbm4b:s9+s3], $0x100, $0x38;
	[tilespmem:$0x19200] =	vst v63  }
0x25: {  	_ =	swait.ge [sflag:s21], $0x100  }
0x26: {  	[sflag:s21] =	ssyncset.done $0x0  }
0x27: {  	[sflag:s21] =	ssyncadd.s32 $0xFFFFFF00  }
0x28: {  	[tilespmem:s23], [sflag:$0x1] =	stream.indirect.gather [hbm4b:s4+s22], $0x80, s3, s22, $0xb8;
	[tilespmem:$0x19200] =	vst v63  }
0x29: {  	s10 =	rddreg [dreg:$0x6]  }
0x2a: {  	[tilespmem:s24], [sflag:$0x4] =	stream.linear.gather [hbm4b:s10+s3], $0x100, $0x38;
	[tilespmem:$0x19200] =	vst v63  }
0x2b: {  	_ =	swait.ge [sflag:s25], $0x100  }
0x2c: {  	[sflag:s25] =	ssyncset.done $0x0  }
0x2d: {  	[sflag:s25] =	ssyncadd.s32 $0xFFFFFF00  }
0x2e: {  	[tilespmem:s26], [sflag:$0x2] =	stream.indirect.gather [hbm4b:s4+s22], $0x80, s24, s22, $0xb8;
	[tilespmem:$0x19200] =	vst v63  }
0x2f: {  	_ =	swait.ge [sflag:s28], $0x2800  }
0x30: {  	[sflag:s28] =	ssyncset.done $0x0  }
0x31: {  	[sflag:s28] =	ssyncadd.s32 $0xFFFFD800  }
0x32: {  	[spmem:s1] =	stream.indirect.scatter.add.f32 [tilespmem:s23], [sflag:$0x5], $0x80, s29, s22, $0xb8;
	[tilespmem:$0x19200] =	vst v63  }
0x33: {  	_ =	swait.ge [sflag:s21], $0x2800  }
0x34: {  	s11 =	sshrl.u32 s18, $0x3;
	[sflag:s21] =	ssyncset.done $0x0  }
0x35: {  	s7 =	sadd.s32 s5, s11;
	[sflag:s21] =	ssyncadd.s32 $0xFFFFD800  }
0x36: {  	[tilespmem:s3], [sflag:$0x3] =	stream.linear.gather [hbm4b:s7+s3], $0x100, $0x38;
	[tilespmem:$0x19200] =	vst v63  }
0x37: {  	_ =	swait.ge [sflag:s30], $0x2800  }
0x38: {  	[sflag:s30] =	ssyncset.done $0x0  }
0x39: {  	[sflag:s30] =	ssyncadd.s32 $0xFFFFD800  }
0x3a: {  	[spmem:s1] =	stream.indirect.scatter.add.f32 [tilespmem:s26], [sflag:$0x5], $0x80, s31, s22, $0xb8;
	[tilespmem:$0x19200] =	vst v63  }
0x3b: {  	_ =	swait.ge [sflag:s21], $0x2800  }
0x3c: {  	[sflag:s21] =	ssyncset.done $0x0  }
0x3d: {  	[sflag:s21] =	ssyncadd.s32 $0xFFFFD800  }
0x3e: {  	_ =	swait.ge [sflag:s0], $0x100  }
0x3f: {  	s9 =	sadd.s32 $0x200, s18;
	[sflag:s0] =	ssyncset.done $0x0  }
0x40: {  	s10 =	sadd.s32 $0x0, s17;
	s7 =	simm.s32 $0x40;
	[sflag:s0] =	ssyncadd.s32 $0xFFFFFF00  }
0x41: {  	[tilespmem:s23], [sflag:$0x1] =	stream.indirect.gather [hbm4b:s4+s22], $0x80, s3, s22, $0xb8;
	[tilespmem:$0x19200] =	vst v63  }
.LBB2_2:
0x42: {  	[tilespmem:s24], [sflag:$0x4] =	stream.linear.gather [hbm4b:s10+s3], $0x100, $0x38;
	[tilespmem:$0x19200] =	vst v63  }
0x43: {  	s10 =	smov.u32 s7  }
0x44: {  	p0 =	sne.s32 s7, $0x1EC0;
	s7 =	sadd.s32 $0x40, s7;
	_ =	swait.ge [sflag:s25], $0x100  }
0x45: {  	[sflag:s25] =	ssyncset.done $0x0  }
0x46: {  	[sflag:s25] =	ssyncadd.s32 $0xFFFFFF00  }
0x47: {  	[tilespmem:s26], [sflag:$0x2] =	stream.indirect.gather [hbm4b:s4+s22], $0x80, s24, s22, $0xb8;
	[tilespmem:$0x19200] =	vst v63  }
0x48: {  	_ =	swait.ge [sflag:s28], $0x2800  }
0x49: {  	[sflag:s28] =	ssyncset.done $0x0  }
0x4a: {  	[sflag:s28] =	ssyncadd.s32 $0xFFFFD800  }
0x4b: {  	[spmem:s1] =	stream.indirect.scatter.add.f32 [tilespmem:s23], [sflag:$0x5], $0x80, s29, s22, $0xb8;
	[tilespmem:$0x19200] =	vst v63  }
0x4c: {  	_ =	swait.ge [sflag:s21], $0x2800  }
0x4d: {  	s11 =	sshrl.u32 s9, $0x3;
	[sflag:s21] =	ssyncset.done $0x0  }
0x4e: {  	s11 =	sadd.s32 s5, s11;
	[sflag:s21] =	ssyncadd.s32 $0xFFFFD800  }
0x4f: {  	[tilespmem:s3], [sflag:$0x3] =	stream.linear.gather [hbm4b:s11+s3], $0x100, $0x38;
	[tilespmem:$0x19200] =	vst v63  }
0x50: {  	_ =	swait.ge [sflag:s30], $0x2800  }
0x51: {  	[sflag:s30] =	ssyncset.done $0x0  }
0x52: {  	[sflag:s30] =	ssyncadd.s32 $0xFFFFD800  }
0x53: {  	[spmem:s1] =	stream.indirect.scatter.add.f32 [tilespmem:s26], [sflag:$0x5], $0x80, s31, s22, $0xb8;
	[tilespmem:$0x19200] =	vst v63  }
0x54: {  	_ =	swait.ge [sflag:s21], $0x2800  }
0x55: {  	[sflag:s21] =	ssyncset.done $0x0  }
0x56: {  	[sflag:s21] =	ssyncadd.s32 $0xFFFFD800  }
.Ltmp0:
0x57: {  	_ =	swait.ge [sflag:s0], $0x100;
	(pc) =	sbr.rel @p0 .LBB2_2-.Ltmp0, $4  }
0x58: {  	[sflag:s0] =	ssyncset.done $0x0  }
0x59: {  	[sflag:s0] =	ssyncadd.s32 $0xFFFFFF00  }
0x5a: {  	[tilespmem:s23], [sflag:$0x1] =	stream.indirect.gather [hbm4b:s4+s22], $0x80, s3, s22, $0xb8;
	[tilespmem:$0x19200] =	vst v63  }
0x5b: {  	s9 =	sadd.s32 $0x200, s9;
	s10 =	sadd.s32 s10, s17  }
0x5c: {  	[tilespmem:s24], [sflag:$0x4] =	stream.linear.gather [hbm4b:s10+s3], $0x100, $0x38;
	[tilespmem:$0x19200] =	vst v63  }
0x5d: {  	_ =	swait.ge [sflag:s25], $0x100  }
0x5e: {  	[sflag:s25] =	ssyncset.done $0x0  }
0x5f: {  	[sflag:s25] =	ssyncadd.s32 $0xFFFFFF00  }
0x60: {  	[tilespmem:s26], [sflag:$0x2] =	stream.indirect.gather [hbm4b:s4+s22], $0x80, s24, s22, $0xb8;
	[tilespmem:$0x19200] =	vst v63  }
0x61: {  	_ =	swait.ge [sflag:s28], $0x2800  }
0x62: {  	[sflag:s28] =	ssyncset.done $0x0  }
0x63: {  	[sflag:s28] =	ssyncadd.s32 $0xFFFFD800  }
0x64: {  	[spmem:s1] =	stream.indirect.scatter.add.f32 [tilespmem:s23], [sflag:$0x5], $0x80, s29, s22, $0xb8;
	[tilespmem:$0x19200] =	vst v63  }
0x65: {  	_ =	swait.ge [sflag:s21], $0x2800  }
0x66: {  	[sflag:s21] =	ssyncset.done $0x0  }
0x67: {  	[sflag:s21] =	ssyncadd.s32 $0xFFFFD800  }
0x68: {  	_ =	swait.ge [sflag:s30], $0x2800  }
0x69: {  	[sflag:s30] =	ssyncset.done $0x0  }
0x6a: {  	[sflag:s30] =	ssyncadd.s32 $0xFFFFD800  }
0x6b: {  	[spmem:s1] =	stream.indirect.scatter.add.f32 [tilespmem:s26], [sflag:$0x5], $0x80, s31, s22, $0xb8;
	[tilespmem:$0x19200] =	vst v63  }
0x6c: {  	_ =	swait.ge [sflag:s21], $0x2800  }
0x6d: {  	[sflag:s21] =	ssyncset.done $0x0  }
0x6e: {  	[sflag:s21] =	ssyncadd.s32 $0xFFFFD800  }
0x6f: {  	[bflag:$0x0] =	sbarrier.arrive $0xFFFF  }
0x70: {  	s7 =	rddreg [dreg:$0x7]  }
0x71: {  	[hbm:s7], [sflag:s8] =	dma.local [spmem:s6], $0x2800  }
0x72: {  	_ =	swait.ge [sflag:s21], $0x2800  }
0x73: {  	[sflag:s21] =	ssyncset.done $0x0  }
0x74: {  	[sflag:s21] =	ssyncadd.s32 $0xFFFFD800  }
0x75: {  	[spmem:s6], [sflag:s8] =	dma.local [hbm:s12], $0x2800  }
0x76: {  	_ =	swait.ge [sflag:s21], $0x2800  }
0x77: {  	[sflag:s21] =	ssyncset.done $0x0  }
0x78: {  	[sflag:s21] =	ssyncadd.s32 $0xFFFFD800  }
0x79: {  	s10 =	simm.s32 $0x0;
	[bflag:$0x0] =	sbarrier.arrive $0xFFFF  }
0x7a: {  	[tilespmem:s10], [sflag:$0x5] =	stream.linear.gather [hbm4b:s13+s10], $0x100, $0x38;
	[tilespmem:$0x19200] =	vst v63  }
0x7b: {  	_ =	swait.ge [sflag:s21], $0x100  }
0x7c: {  	[sflag:s21] =	ssyncset.done $0x0  }
0x7d: {  	[sflag:s21] =	ssyncadd.s32 $0xFFFFFF00  }
0x7e: {  	[tilespmem:s23], [sflag:$0x1] =	stream.indirect.gather [hbm4b:s4+s22], $0x80, s10, s22, $0xb8;
	[tilespmem:$0x19200] =	vst v63  }
0x7f: {  	_ = 	snop  }
0x80: {  	[tilespmem:s24], [sflag:$0x4] =	stream.linear.gather [hbm4b:s14+s10], $0x100, $0x38;
	[tilespmem:$0x19200] =	vst v63  }
0x81: {  	_ =	swait.ge [sflag:s25], $0x100  }
0x82: {  	[sflag:s25] =	ssyncset.done $0x0  }
0x83: {  	[sflag:s25] =	ssyncadd.s32 $0xFFFFFF00  }
0x84: {  	[tilespmem:s26], [sflag:$0x2] =	stream.indirect.gather [hbm4b:s4+s22], $0x80, s24, s22, $0xb8;
	[tilespmem:$0x19200] =	vst v63  }
0x85: {  	_ =	swait.ge [sflag:s28], $0x2800  }
0x86: {  	[sflag:s28] =	ssyncset.done $0x0  }
0x87: {  	[sflag:s28] =	ssyncadd.s32 $0xFFFFD800  }
0x88: {  	[spmem:s1] =	stream.indirect.scatter.add.f32 [tilespmem:s23], [sflag:$0x5], $0x80, s29, s22, $0xb8;
	[tilespmem:$0x19200] =	vst v63  }
0x89: {  	_ =	swait.ge [sflag:s21], $0x2800  }
0x8a: {  	[sflag:s21] =	ssyncset.done $0x0  }
0x8b: {  	s11 =	sadd.s32 $0x0, s20;
	[sflag:s21] =	ssyncadd.s32 $0xFFFFD800  }
0x8c: {  	[tilespmem:s3], [sflag:$0x3] =	stream.linear.gather [hbm4b:s11+s3], $0x100, $0x38;
	[tilespmem:$0x19200] =	vst v63  }
0x8d: {  	_ =	swait.ge [sflag:s30], $0x2800  }
0x8e: {  	[sflag:s30] =	ssyncset.done $0x0  }
0x8f: {  	[sflag:s30] =	ssyncadd.s32 $0xFFFFD800  }
0x90: {  	[spmem:s1] =	stream.indirect.scatter.add.f32 [tilespmem:s26], [sflag:$0x5], $0x80, s31, s22, $0xb8;
	[tilespmem:$0x19200] =	vst v63  }
0x91: {  	_ =	swait.ge [sflag:s21], $0x2800  }
0x92: {  	[sflag:s21] =	ssyncset.done $0x0  }
0x93: {  	[sflag:s21] =	ssyncadd.s32 $0xFFFFD800  }
0x94: {  	_ =	swait.ge [sflag:s0], $0x100  }
0x95: {  	[sflag:s0] =	ssyncset.done $0x0  }
0x96: {  	s9 =	sadd.s32 $0x0, s19;
	s7 =	simm.s32 $0x40;
	[sflag:s0] =	ssyncadd.s32 $0xFFFFFF00  }
0x97: {  	[tilespmem:s23], [sflag:$0x1] =	stream.indirect.gather [hbm4b:s4+s22], $0x80, s3, s22, $0xb8;
	[tilespmem:$0x19200] =	vst v63  }
.LBB2_4:
0x98: {  	[tilespmem:s24], [sflag:$0x4] =	stream.linear.gather [hbm4b:s9+s3], $0x100, $0x38;
	[tilespmem:$0x19200] =	vst v63  }
0x99: {  	s9 =	smov.u32 s7  }
0x9a: {  	p0 =	sne.s32 s7, $0x1EC0;
	s7 =	sadd.s32 $0x40, s7;
	_ =	swait.ge [sflag:s25], $0x100  }
0x9b: {  	[sflag:s25] =	ssyncset.done $0x0  }
0x9c: {  	[sflag:s25] =	ssyncadd.s32 $0xFFFFFF00  }
0x9d: {  	[tilespmem:s26], [sflag:$0x2] =	stream.indirect.gather [hbm4b:s4+s22], $0x80, s24, s22, $0xb8;
	[tilespmem:$0x19200] =	vst v63  }
0x9e: {  	_ =	swait.ge [sflag:s28], $0x2800  }
0x9f: {  	[sflag:s28] =	ssyncset.done $0x0  }
0xa0: {  	[sflag:s28] =	ssyncadd.s32 $0xFFFFD800  }
0xa1: {  	[spmem:s1] =	stream.indirect.scatter.add.f32 [tilespmem:s23], [sflag:$0x5], $0x80, s29, s22, $0xb8;
	[tilespmem:$0x19200] =	vst v63  }
0xa2: {  	_ =	swait.ge [sflag:s21], $0x2800  }
0xa3: {  	[sflag:s21] =	ssyncset.done $0x0  }
0xa4: {  	s10 =	sadd.s32 s9, s20;
	[sflag:s21] =	ssyncadd.s32 $0xFFFFD800  }
0xa5: {  	[tilespmem:s3], [sflag:$0x3] =	stream.linear.gather [hbm4b:s10+s3], $0x100, $0x38;
	[tilespmem:$0x19200] =	vst v63  }
0xa6: {  	_ =	swait.ge [sflag:s30], $0x2800  }
0xa7: {  	[sflag:s30] =	ssyncset.done $0x0  }
0xa8: {  	[sflag:s30] =	ssyncadd.s32 $0xFFFFD800  }
0xa9: {  	[spmem:s1] =	stream.indirect.scatter.add.f32 [tilespmem:s26], [sflag:$0x5], $0x80, s31, s22, $0xb8;
	[tilespmem:$0x19200] =	vst v63  }
0xaa: {  	_ =	swait.ge [sflag:s21], $0x2800  }
0xab: {  	[sflag:s21] =	ssyncset.done $0x0  }
0xac: {  	[sflag:s21] =	ssyncadd.s32 $0xFFFFD800  }
.Ltmp1:
0xad: {  	_ =	swait.ge [sflag:s0], $0x100;
	(pc) =	sbr.rel @p0 .LBB2_4-.Ltmp1, $4  }
0xae: {  	[sflag:s0] =	ssyncset.done $0x0  }
0xaf: {  	[sflag:s0] =	ssyncadd.s32 $0xFFFFFF00  }
0xb0: {  	[tilespmem:s23], [sflag:$0x1] =	stream.indirect.gather [hbm4b:s4+s22], $0x80, s3, s22, $0xb8;
	[tilespmem:$0x19200] =	vst v63  }
0xb1: {  	s9 =	sadd.s32 s9, s19  }
0xb2: {  	[tilespmem:s24], [sflag:$0x4] =	stream.linear.gather [hbm4b:s9+s3], $0x100, $0x38;
	[tilespmem:$0x19200] =	vst v63  }
0xb3: {  	_ =	swait.ge [sflag:s25], $0x100  }
0xb4: {  	[sflag:s25] =	ssyncset.done $0x0  }
0xb5: {  	[sflag:s25] =	ssyncadd.s32 $0xFFFFFF00  }
0xb6: {  	[tilespmem:s26], [sflag:$0x2] =	stream.indirect.gather [hbm4b:s4+s22], $0x80, s24, s22, $0xb8;
	[tilespmem:$0x19200] =	vst v63  }
0xb7: {  	_ =	swait.ge [sflag:s28], $0x2800  }
0xb8: {  	[sflag:s28] =	ssyncset.done $0x0  }
0xb9: {  	[sflag:s28] =	ssyncadd.s32 $0xFFFFD800  }
0xba: {  	[spmem:s1] =	stream.indirect.scatter.add.f32 [tilespmem:s23], [sflag:$0x5], $0x80, s29, s22, $0xb8;
	[tilespmem:$0x19200] =	vst v63  }
0xbb: {  	_ =	swait.ge [sflag:s21], $0x2800  }
0xbc: {  	[sflag:s21] =	ssyncset.done $0x0  }
0xbd: {  	[sflag:s21] =	ssyncadd.s32 $0xFFFFD800  }
0xbe: {  	_ =	swait.ge [sflag:s30], $0x2800  }
0xbf: {  	[sflag:s30] =	ssyncset.done $0x0  }
0xc0: {  	[sflag:s30] =	ssyncadd.s32 $0xFFFFD800  }
0xc1: {  	[spmem:s1] =	stream.indirect.scatter.add.f32 [tilespmem:s26], [sflag:$0x5], $0x80, s31, s22, $0xb8;
	[tilespmem:$0x19200] =	vst v63  }
0xc2: {  	_ =	swait.ge [sflag:s21], $0x2800  }
0xc3: {  	s2 =	sadd.s32 $0x1, s2;
	[sflag:s21] =	ssyncset.done $0x0  }
0xc4: {  	p0 =	sne.s32 s2, s16;
	[sflag:s21] =	ssyncadd.s32 $0xFFFFD800  }
.Ltmp2:
0xc5: {  	[bflag:$0x0] =	sbarrier.arrive $0xFFFF;
	(pc) =	sbr.rel @p0 .LBB2_1-.Ltmp2, $4  }
0xc6: {  	[hbm:s15], [sflag:s8] =	dma.local [spmem:s6], $0x2800  }
0xc7: {  	_ =	swait.ge [sflag:s21], $0x2800  }
0xc8: {  	[sflag:s21] =	ssyncset.done $0x0  }
0xc9: {  	[sflag:s21] =	ssyncadd.s32 $0xFFFFD800  }
0xca: {  	_ =	sfence.sel $0x180000  }
0xcb: {  	[bflag:$0x0] =	sbarrier.arrive $0xFFFF  }
0xcc: {  	_ =	strace $0x9000004A  }
0xcd: {  	s0 =	stileid.u32;
	[bflag:$0x2] =	sbarrier.arrive $0xFFFF  }
0xce: {  	p0 =	sne.s32 s0, $0x0;
	s0 =	rddreg [dreg:$0x2]  }
0xcf: {  	s0 =	sadd.s32 @!p0 $0x100000, s0  }
0xd0: {  	[sflag:s0] =	ssyncadd.tile.s32 @!p0 $0x1;
	_ =	shalt  }
.Lfunc_end2:
_tile_overlayer_lowered:
.L_overlay_start_2:
0xd1: {  	(tag) =	ssettag $0x2  }
0xd2: {  	s0 =	rddreg [dreg:$0x0];
	s2 =	stileid.u32  }
0xd3: {  	s1 =	rddreg [dreg:$0x1];
	p0 =	sne.s32 s2, $0x0  }
0xd4: {  	s3 =	rddreg [dreg:$0x2];
	[bflag:$0x3] =	sbarrier.arrive $0xFFFF;
	s2 =	simm.s32 @!p0 $0x1C05  }
0xd5: {  	[timem:s3], [sflag:s2] =	dma.local @!p0 [hbm:s0], s1  }
0xd6: {  	s0 =	simm.s32 @!p0 $0x5  }
0xd7: {  	_ =	swait.ge @!p0 [sflag:s0], s1  }
0xd8: {  	s1 =	ssub.s32 @!p0 $0x0, s1;
	[sflag:s0] =	ssyncset.done @!p0 $0x0  }
0xd9: {  	[sflag:s0] =	ssyncadd.s32 @!p0 s1  }
0xda: {  	[bflag:$0x3] =	sbarrier.arrive $0xFFFF  }
0xdb: {  	_ =	shalt  }

</sc_bundles>
